<compile_context>
chip_gen: v7x
topology: tpu7x:2x2x1
jax: 0.10.2.dev20260603
libtpu: 0.0.44.dev20260713+nightly
codegen_flags: <defaults>
</compile_context>

<pallas_src>
import functools

import jax
import jax.numpy as jnp
from jax import lax
from jax.experimental import pallas as pl
from jax.experimental.pallas import tpu as pltpu
from jax.experimental.pallas import tpu_sc as plsc

N = 10000
E = 320000
HID = 128
H = 4
D = HID // H
TEMP = float(HID) ** (-0.5)

NHALF = 2
EH = E // NHALF
BE = 4000
GRID_EH = EH // BE
BN = 2000
CB = 80
EDGES_PER_TILE = EH // 16
CHUNKS_PER_TILE = EDGES_PER_TILE // CB
ROWS_PER_TILE = 624
ROWS_TAIL_OFF = 16 * ROWS_PER_TILE
ROWS_TAIL = N - ROWS_TAIL_OFF


def _edge_body(k_ref, q_ref, v_ref, hm_ref, em_ref, w_ref, e_ref):
    p = k_ref[...] * q_ref[...]
    s = lax.dot(p, hm_ref[...], precision=lax.Precision.HIGHEST,
                preferred_element_type=jnp.float32) * TEMP
    s = jnp.where(s >= 0.0, s, 0.2 * s)
    s = jnp.minimum(s, 70.0)
    e = jnp.exp(s)
    er = lax.dot(e, em_ref[...], preferred_element_type=jnp.float32)
    e_ref[...] = er
    w_ref[...] = v_ref[...] * er


def _scatter_body(ebase, w_hbm, e_hbm, dst_hbm, zn_hbm, zd_hbm,
                  num_hbm, den_hbm,
                  acc, vma, vmb, iva, ivb, sema, semb, semia, semib):
    c = lax.axis_index("c")
    s = lax.axis_index("s")
    r0 = s * ROWS_PER_TILE

    def init_from(src_ref):
        pltpu.sync_copy(src_ref.at[pl.ds(r0, ROWS_PER_TILE), :],
                        acc.at[pl.ds(r0, ROWS_PER_TILE), :])

        @pl.when(s == 15)
        def _init_tail():
            pltpu.sync_copy(src_ref.at[pl.ds(ROWS_TAIL_OFF, ROWS_TAIL), :],
                            acc.at[pl.ds(ROWS_TAIL_OFF, ROWS_TAIL), :])

    @pl.when(c == 0)
    def _seed_num():
        init_from(zn_hbm)

    @pl.when(c == 1)
    def _seed_den():
        init_from(zd_hbm)

    plsc.subcore_barrier()
    base = s * EDGES_PER_TILE

    def chunk_from(src_hbm):
        def load(ci, vm, iv, sem, semi):
            off = base + ci * CB
            pltpu.async_copy(src_hbm.at[pl.ds(off, CB), :], vm, sem)
            pltpu.async_copy(dst_hbm.at[pl.ds(ebase + off, CB)], iv, semi)

        def waitbufs(vm, iv, sem, semi):
            pltpu.make_async_copy(src_hbm.at[pl.ds(0, CB), :], vm, sem).wait()
            pltpu.make_async_copy(dst_hbm.at[pl.ds(0, CB)], iv, semi).wait()

        load(0, vma, iva, sema, semia)
        load(1, vmb, ivb, semb, semib)

        def step(k, carry):
            i0 = 2 * k
            waitbufs(vma, iva, sema, semia)
            pltpu.sync_copy(vma, acc.at[iva], add=True)

            @pl.when(i0 + 2 < CHUNKS_PER_TILE)
            def _():
                load(i0 + 2, vma, iva, sema, semia)

            waitbufs(vmb, ivb, semb, semib)
            pltpu.sync_copy(vmb, acc.at[ivb], add=True)

            @pl.when(i0 + 3 < CHUNKS_PER_TILE)
            def _():
                load(i0 + 3, vmb, ivb, semb, semib)

            return carry

        lax.fori_loop(0, CHUNKS_PER_TILE // 2, step, 0)

        if CHUNKS_PER_TILE % 2:
            waitbufs(vma, iva, sema, semia)
            pltpu.sync_copy(vma, acc.at[iva], add=True)

    @pl.when(c == 0)
    def _num():
        chunk_from(w_hbm)

    @pl.when(c == 1)
    def _den():
        chunk_from(e_hbm)

    plsc.subcore_barrier()

    def dump(dst_ref):
        pltpu.sync_copy(acc.at[pl.ds(r0, ROWS_PER_TILE), :],
                        dst_ref.at[pl.ds(r0, ROWS_PER_TILE), :])

        @pl.when(s == 15)
        def _dump_tail():
            pltpu.sync_copy(acc.at[pl.ds(ROWS_TAIL_OFF, ROWS_TAIL), :],
                            dst_ref.at[pl.ds(ROWS_TAIL_OFF, ROWS_TAIL), :])

    @pl.when(c == 0)
    def _dump_num():
        dump(num_hbm)

    @pl.when(c == 1)
    def _dump_den():
        dump(den_hbm)


def _divide_body(n_ref, d_ref, o_ref):
    den = d_ref[...]
    o_ref[...] = jnp.where(den > 0.0, n_ref[...] / den, 0.0)


def kernel(edge_index, keys, queries, values):
    dst = edge_index[1]
    expand = jnp.repeat(jnp.eye(H, dtype=jnp.float32), D, axis=1)
    hmat = expand.T
    zeros = jnp.zeros((N, HID), jnp.float32)

    def edge_half(h):
        return pl.pallas_call(
            _edge_body,
            grid=(GRID_EH,),
            in_specs=[
                pl.BlockSpec((BE, HID), lambda i, h=h: (i + h * GRID_EH, 0)),
                pl.BlockSpec((BE, HID), lambda i, h=h: (i + h * GRID_EH, 0)),
                pl.BlockSpec((BE, HID), lambda i, h=h: (i + h * GRID_EH, 0)),
                pl.BlockSpec((HID, H), lambda i: (0, 0)),
                pl.BlockSpec((H, HID), lambda i: (0, 0)),
            ],
            out_specs=[
                pl.BlockSpec((BE, HID), lambda i: (i, 0)),
                pl.BlockSpec((BE, HID), lambda i: (i, 0)),
            ],
            out_shape=[
                jax.ShapeDtypeStruct((EH, HID), jnp.float32),
                jax.ShapeDtypeStruct((EH, HID), jnp.float32),
            ],
        )(keys, queries, values, hmat, expand)

    def scatter_half(h, weighted, erep, init_num, init_den):
        sc = pl.kernel(
            functools.partial(_scatter_body, h * EH),
            out_type=[
                jax.ShapeDtypeStruct((N, HID), jnp.float32),
                jax.ShapeDtypeStruct((N, HID), jnp.float32),
            ],
            mesh=plsc.VectorSubcoreMesh(core_axis_name="c",
                                        subcore_axis_name="s"),
            scratch_types=[
                pltpu.VMEM_SHARED((N, HID), jnp.float32),
                pltpu.VMEM((CB, HID), jnp.float32),
                pltpu.VMEM((CB, HID), jnp.float32),
                pltpu.VMEM((CB,), jnp.int32),
                pltpu.VMEM((CB,), jnp.int32),
                pltpu.SemaphoreType.DMA,
                pltpu.SemaphoreType.DMA,
                pltpu.SemaphoreType.DMA,
                pltpu.SemaphoreType.DMA,
            ],
        )
        return sc(weighted, erep, dst, init_num, init_den)

    num, den = zeros, zeros
    for h in range(NHALF):
        w, e = edge_half(h)
        num, den = scatter_half(h, w, e, num, den)

    out = pl.pallas_call(
        _divide_body,
        grid=(N // BN,),
        in_specs=[
            pl.BlockSpec((BN, HID), lambda i: (i, 0)),
            pl.BlockSpec((BN, HID), lambda i: (i, 0)),
        ],
        out_specs=pl.BlockSpec((BN, HID), lambda i: (i, 0)),
        out_shape=jax.ShapeDtypeStruct((N, HID), jnp.float32),
    )(num, den)
    return out

# --- scband reference (transcript-rebuilt; emitter-appended) ---
"""Pipeline reference for scband-graph-attention-60687887892712 (READ-ONLY COPY).

The authoritative reference and input builder live on the scoring server;
editing this copy changes nothing except your own understanding.
"""

import jax, jax.numpy as jnp
import numpy as np

N = 10000          # num nodes
E = 320000         # num edges
HID = 128          # hidden_size
H = 4              # nheads
D = HID // H       # head dim
TEMP = HID ** (-0.5)


def setup_inputs(seed: int = 0) -> dict:
    key = jax.random.key(seed)
    k1, k2, k3, k4 = jax.random.split(key, 4)
    keys = jax.random.normal(k1, (E, HID), dtype=jnp.float32)
    queries = jax.random.normal(k2, (E, HID), dtype=jnp.float32)
    values = jax.random.normal(k3, (E, HID), dtype=jnp.float32)
    edge_index = jax.random.randint(k4, (2, E), 0, N, dtype=jnp.int32)
    return {"edge_index": edge_index, "keys": keys, "queries": queries, "values": values}


def reference(edge_index, keys, queries, values):
    dst = edge_index[1]
    k = keys.reshape(E, H, D)
    q = queries.reshape(E, H, D)
    v = values.reshape(E, H, D)
    # per-edge, per-head attention logits
    scores = (k * q).sum(-1) * TEMP              # (E, H)
    scores = jax.nn.leaky_relu(scores, 0.2)
    # dgl.ops.edge_softmax: softmax over incoming edges of each dst node
    m = jax.ops.segment_max(scores, dst, num_segments=N)   # (N, H)
    m = jnp.where(jnp.isfinite(m), m, 0.0)
    ex = jnp.exp(scores - jax.lax.stop_gradient(m)[dst])    # (E, H)
    denom = jax.ops.segment_sum(ex, dst, num_segments=N)    # (N, H)
    weights = ex / denom[dst]                                # (E, H)
    # dropout p=0.0 -> identity; no mask / bias
    weighted = weights[..., None] * v                        # (E, H, D)
    # dgl.ops.copy_e_sum: scatter-add edges onto dst nodes
    out = jax.ops.segment_sum(weighted, dst, num_segments=N)  # (N, H, D)
    return out.reshape(N, HID)

if __name__ == "__main__":
    import jax
    _d = setup_inputs()
    print(jax.jit(kernel)(*tuple(_d.values())))

</pallas_src>

<mosaic_0001>
#map = affine_map<(d0, d1) -> (0, 0)>
#map1 = affine_map<(d0, d1) -> (0)>
module attributes {stable_mosaic.version = 14 : i64} {
  func.func @_scatter_body(%arg0: i32, %arg1: i32, %arg2: memref<160000x128xf32, #tpu.memory_space<hbm>>, %arg3: memref<160000x128xf32, #tpu.memory_space<hbm>>, %arg4: memref<320000xi32, #tpu.memory_space<hbm>>, %arg5: memref<10000x128xf32, #tpu.memory_space<hbm>>, %arg6: memref<10000x128xf32, #tpu.memory_space<hbm>>, %arg7: memref<10000x128xf32, #tpu.memory_space<hbm>>, %arg8: memref<10000x128xf32, #tpu.memory_space<hbm>>, %arg9: memref<10000x128xf32, #tpu.memory_space<vmem_shared>>, %arg10: memref<80x128xf32, #tpu.memory_space<vmem>>, %arg11: memref<80x128xf32, #tpu.memory_space<vmem>>, %arg12: memref<80xi32, #tpu.memory_space<vmem>>, %arg13: memref<80xi32, #tpu.memory_space<vmem>>, %arg14: memref<!tpu.dma_semaphore, #tpu.memory_space<semaphore_mem>>, %arg15: memref<!tpu.dma_semaphore, #tpu.memory_space<semaphore_mem>>, %arg16: memref<!tpu.dma_semaphore, #tpu.memory_space<semaphore_mem>>, %arg17: memref<!tpu.dma_semaphore, #tpu.memory_space<semaphore_mem>>) attributes {dimension_semantics = [#tpu.dimension_semantics<core_parallel>, #tpu.dimension_semantics<subcore_parallel>], iteration_bounds = array<i64: 2, 16>, scalar_prefetch = 0 : i64, scratch_operands = 9 : i64, tpu.core_type = #tpu.core_type<sc_vector_subcore>, window_params = [{transform_indices = #map}, {transform_indices = #map}, {transform_indices = #map1}, {transform_indices = #map}, {transform_indices = #map}, {transform_indices = #map}, {transform_indices = #map}]} {
    %mul3A = arith.constant 624 : i32
    %mul3A_0 = arith.muli %arg1, %mul3A : i32
    %eq3A = arith.constant 0 : i32
    %eq3A_1 = arith.cmpi eq, %arg0, %eq3A : i32
    %convert_element_type3A = arith.extui %eq3A_1 : i1 to i32
    %cond3A = arith.constant 0 : i32
    %cond3A_2 = arith.cmpi ne, %convert_element_type3A, %cond3A : i32
    scf.if %cond3A_2 {
      "tpu.region"() ({
        %run_scoped3A = tpu.sem_alloc : memref<!tpu.dma_semaphore, #tpu.memory_space<semaphore_mem>>
        %dma_start3A = arith.constant 0 : i32
        %dma_start3A_36 = tpu.memref_slice %arg9[%mul3A_0, %dma_start3A] : memref<10000x128xf32, #tpu.memory_space<vmem_shared>> -> memref<624x128xf32, #tpu.memory_space<vmem_shared>>
        %dma_start3A_37 = arith.constant 0 : i32
        %dma_start3A_38 = tpu.memref_slice %arg5[%mul3A_0, %dma_start3A_37] : memref<10000x128xf32, #tpu.memory_space<hbm>> -> memref<624x128xf32, #tpu.memory_space<hbm>>
        tpu.enqueue_dma source(%dma_start3A_38 : memref<624x128xf32, #tpu.memory_space<hbm>>) target(%dma_start3A_36 : memref<624x128xf32, #tpu.memory_space<vmem_shared>>) target_semaphore(%run_scoped3A : memref<!tpu.dma_semaphore, #tpu.memory_space<semaphore_mem>>)
        %dma_wait3A = arith.constant 0 : i32
        %dma_wait3A_39 = tpu.memref_slice %arg9[%mul3A_0, %dma_wait3A] : memref<10000x128xf32, #tpu.memory_space<vmem_shared>> -> memref<624x128xf32, #tpu.memory_space<vmem_shared>>
        %dma_wait3A_40 = arith.constant 0 : i32
        %dma_wait3A_41 = tpu.memref_slice %arg5[%mul3A_0, %dma_wait3A_40] : memref<10000x128xf32, #tpu.memory_space<hbm>> -> memref<624x128xf32, #tpu.memory_space<hbm>>
        tpu.wait_dma2 semaphore(%run_scoped3A : memref<!tpu.dma_semaphore, #tpu.memory_space<semaphore_mem>>) src(%dma_wait3A_41 : memref<624x128xf32, #tpu.memory_space<hbm>>) dst(%dma_wait3A_39 : memref<624x128xf32, #tpu.memory_space<vmem_shared>>)
        tpu.yield
      }) : () -> ()
      %eq3A_31 = arith.constant 15 : i32
      %eq3A_32 = arith.cmpi eq, %arg1, %eq3A_31 : i32
      %convert_element_type3A_33 = arith.extui %eq3A_32 : i1 to i32
      %cond3A_34 = arith.constant 0 : i32
      %cond3A_35 = arith.cmpi ne, %convert_element_type3A_33, %cond3A_34 : i32
      scf.if %cond3A_35 {
        "tpu.region"() ({
          %run_scoped3A = tpu.sem_alloc : memref<!tpu.dma_semaphore, #tpu.memory_space<semaphore_mem>>
          %dma_start3A = arith.constant 9984 : i32
          %dma_start3A_36 = arith.constant 0 : i32
          %dma_start3A_37 = tpu.memref_slice %arg9[%dma_start3A, %dma_start3A_36] : memref<10000x128xf32, #tpu.memory_space<vmem_shared>> -> memref<16x128xf32, #tpu.memory_space<vmem_shared>>
          %dma_start3A_38 = arith.constant 9984 : i32
          %dma_start3A_39 = arith.constant 0 : i32
          %dma_start3A_40 = tpu.memref_slice %arg5[%dma_start3A_38, %dma_start3A_39] : memref<10000x128xf32, #tpu.memory_space<hbm>> -> memref<16x128xf32, #tpu.memory_space<hbm>>
          tpu.enqueue_dma source(%dma_start3A_40 : memref<16x128xf32, #tpu.memory_space<hbm>>) target(%dma_start3A_37 : memref<16x128xf32, #tpu.memory_space<vmem_shared>>) target_semaphore(%run_scoped3A : memref<!tpu.dma_semaphore, #tpu.memory_space<semaphore_mem>>)
          %dma_wait3A = arith.constant 9984 : i32
          %dma_wait3A_41 = arith.constant 0 : i32
          %dma_wait3A_42 = tpu.memref_slice %arg9[%dma_wait3A, %dma_wait3A_41] : memref<10000x128xf32, #tpu.memory_space<vmem_shared>> -> memref<16x128xf32, #tpu.memory_space<vmem_shared>>
          %dma_wait3A_43 = arith.constant 9984 : i32
          %dma_wait3A_44 = arith.constant 0 : i32
          %dma_wait3A_45 = tpu.memref_slice %arg5[%dma_wait3A_43, %dma_wait3A_44] : memref<10000x128xf32, #tpu.memory_space<hbm>> -> memref<16x128xf32, #tpu.memory_space<hbm>>
          tpu.wait_dma2 semaphore(%run_scoped3A : memref<!tpu.dma_semaphore, #tpu.memory_space<semaphore_mem>>) src(%dma_wait3A_45 : memref<16x128xf32, #tpu.memory_space<hbm>>) dst(%dma_wait3A_42 : memref<16x128xf32, #tpu.memory_space<vmem_shared>>)
          tpu.yield
        }) : () -> ()
      } else {
      }
    } else {
    }
    %eq3A_3 = arith.constant 1 : i32
    %eq3A_4 = arith.cmpi eq, %arg0, %eq3A_3 : i32
    %convert_element_type3A_5 = arith.extui %eq3A_4 : i1 to i32
    %cond3A_6 = arith.constant 0 : i32
    %cond3A_7 = arith.cmpi ne, %convert_element_type3A_5, %cond3A_6 : i32
    scf.if %cond3A_7 {
      "tpu.region"() ({
        %run_scoped3A = tpu.sem_alloc : memref<!tpu.dma_semaphore, #tpu.memory_space<semaphore_mem>>
        %dma_start3A = arith.constant 0 : i32
        %dma_start3A_36 = tpu.memref_slice %arg9[%mul3A_0, %dma_start3A] : memref<10000x128xf32, #tpu.memory_space<vmem_shared>> -> memref<624x128xf32, #tpu.memory_space<vmem_shared>>
        %dma_start3A_37 = arith.constant 0 : i32
        %dma_start3A_38 = tpu.memref_slice %arg6[%mul3A_0, %dma_start3A_37] : memref<10000x128xf32, #tpu.memory_space<hbm>> -> memref<624x128xf32, #tpu.memory_space<hbm>>
        tpu.enqueue_dma source(%dma_start3A_38 : memref<624x128xf32, #tpu.memory_space<hbm>>) target(%dma_start3A_36 : memref<624x128xf32, #tpu.memory_space<vmem_shared>>) target_semaphore(%run_scoped3A : memref<!tpu.dma_semaphore, #tpu.memory_space<semaphore_mem>>)
        %dma_wait3A = arith.constant 0 : i32
        %dma_wait3A_39 = tpu.memref_slice %arg9[%mul3A_0, %dma_wait3A] : memref<10000x128xf32, #tpu.memory_space<vmem_shared>> -> memref<624x128xf32, #tpu.memory_space<vmem_shared>>
        %dma_wait3A_40 = arith.constant 0 : i32
        %dma_wait3A_41 = tpu.memref_slice %arg6[%mul3A_0, %dma_wait3A_40] : memref<10000x128xf32, #tpu.memory_space<hbm>> -> memref<624x128xf32, #tpu.memory_space<hbm>>
        tpu.wait_dma2 semaphore(%run_scoped3A : memref<!tpu.dma_semaphore, #tpu.memory_space<semaphore_mem>>) src(%dma_wait3A_41 : memref<624x128xf32, #tpu.memory_space<hbm>>) dst(%dma_wait3A_39 : memref<624x128xf32, #tpu.memory_space<vmem_shared>>)
        tpu.yield
      }) : () -> ()
      %eq3A_31 = arith.constant 15 : i32
      %eq3A_32 = arith.cmpi eq, %arg1, %eq3A_31 : i32
      %convert_element_type3A_33 = arith.extui %eq3A_32 : i1 to i32
      %cond3A_34 = arith.constant 0 : i32
      %cond3A_35 = arith.cmpi ne, %convert_element_type3A_33, %cond3A_34 : i32
      scf.if %cond3A_35 {
        "tpu.region"() ({
          %run_scoped3A = tpu.sem_alloc : memref<!tpu.dma_semaphore, #tpu.memory_space<semaphore_mem>>
          %dma_start3A = arith.constant 9984 : i32
          %dma_start3A_36 = arith.constant 0 : i32
          %dma_start3A_37 = tpu.memref_slice %arg9[%dma_start3A, %dma_start3A_36] : memref<10000x128xf32, #tpu.memory_space<vmem_shared>> -> memref<16x128xf32, #tpu.memory_space<vmem_shared>>
          %dma_start3A_38 = arith.constant 9984 : i32
          %dma_start3A_39 = arith.constant 0 : i32
          %dma_start3A_40 = tpu.memref_slice %arg6[%dma_start3A_38, %dma_start3A_39] : memref<10000x128xf32, #tpu.memory_space<hbm>> -> memref<16x128xf32, #tpu.memory_space<hbm>>
          tpu.enqueue_dma source(%dma_start3A_40 : memref<16x128xf32, #tpu.memory_space<hbm>>) target(%dma_start3A_37 : memref<16x128xf32, #tpu.memory_space<vmem_shared>>) target_semaphore(%run_scoped3A : memref<!tpu.dma_semaphore, #tpu.memory_space<semaphore_mem>>)
          %dma_wait3A = arith.constant 9984 : i32
          %dma_wait3A_41 = arith.constant 0 : i32
          %dma_wait3A_42 = tpu.memref_slice %arg9[%dma_wait3A, %dma_wait3A_41] : memref<10000x128xf32, #tpu.memory_space<vmem_shared>> -> memref<16x128xf32, #tpu.memory_space<vmem_shared>>
          %dma_wait3A_43 = arith.constant 9984 : i32
          %dma_wait3A_44 = arith.constant 0 : i32
          %dma_wait3A_45 = tpu.memref_slice %arg6[%dma_wait3A_43, %dma_wait3A_44] : memref<10000x128xf32, #tpu.memory_space<hbm>> -> memref<16x128xf32, #tpu.memory_space<hbm>>
          tpu.wait_dma2 semaphore(%run_scoped3A : memref<!tpu.dma_semaphore, #tpu.memory_space<semaphore_mem>>) src(%dma_wait3A_45 : memref<16x128xf32, #tpu.memory_space<hbm>>) dst(%dma_wait3A_42 : memref<16x128xf32, #tpu.memory_space<vmem_shared>>)
          tpu.yield
        }) : () -> ()
      } else {
      }
    } else {
    }
    %barrier3A = arith.constant 0 : index
    tpu.barrier barrier_id(%barrier3A)
    %mul3A_8 = arith.constant 10000 : i32
    %mul3A_9 = arith.muli %arg1, %mul3A_8 : i32
    %eq3A_10 = arith.constant 0 : i32
    %eq3A_11 = arith.cmpi eq, %arg0, %eq3A_10 : i32
    %convert_element_type3A_12 = arith.extui %eq3A_11 : i1 to i32
    %cond3A_13 = arith.constant 0 : i32
    %cond3A_14 = arith.cmpi ne, %convert_element_type3A_12, %cond3A_13 : i32
    scf.if %cond3A_14 {
      %add3A = arith.constant 0 : i32
      %add3A_31 = arith.addi %mul3A_9, %add3A : i32
      %dma_start3A = arith.constant 0 : i32
      %dma_start3A_32 = tpu.memref_slice %arg2[%add3A_31, %dma_start3A] : memref<160000x128xf32, #tpu.memory_space<hbm>> -> memref<80x128xf32, #tpu.memory_space<hbm>>
      %dma_start3A_33 = arith.constant 0 : i32
      %dma_start3A_34 = tpu.memref_slice %arg2[%add3A_31, %dma_start3A_33] : memref<160000x128xf32, #tpu.memory_space<hbm>> -> memref<80x128xf32, #tpu.memory_space<hbm>>
      tpu.enqueue_dma source(%dma_start3A_34 : memref<80x128xf32, #tpu.memory_space<hbm>>) target(%arg10 : memref<80x128xf32, #tpu.memory_space<vmem>>) target_semaphore(%arg14 : memref<!tpu.dma_semaphore, #tpu.memory_space<semaphore_mem>>)
      %add3A_35 = arith.constant 0 : i32
      %add3A_36 = arith.addi %add3A_35, %add3A_31 : i32
      %dma_start3A_37 = tpu.memref_slice %arg4[%add3A_36] : memref<320000xi32, #tpu.memory_space<hbm>> -> memref<80xi32, #tpu.memory_space<hbm>>
      %dma_start3A_38 = tpu.memref_slice %arg4[%add3A_36] : memref<320000xi32, #tpu.memory_space<hbm>> -> memref<80xi32, #tpu.memory_space<hbm>>
      tpu.enqueue_dma source(%dma_start3A_38 : memref<80xi32, #tpu.memory_space<hbm>>) target(%arg12 : memref<80xi32, #tpu.memory_space<vmem>>) target_semaphore(%arg16 : memref<!tpu.dma_semaphore, #tpu.memory_space<semaphore_mem>>)
      %add3A_39 = arith.constant 80 : i32
      %add3A_40 = arith.addi %mul3A_9, %add3A_39 : i32
      %dma_start3A_41 = arith.constant 0 : i32
      %dma_start3A_42 = tpu.memref_slice %arg2[%add3A_40, %dma_start3A_41] : memref<160000x128xf32, #tpu.memory_space<hbm>> -> memref<80x128xf32, #tpu.memory_space<hbm>>
      %dma_start3A_43 = arith.constant 0 : i32
      %dma_start3A_44 = tpu.memref_slice %arg2[%add3A_40, %dma_start3A_43] : memref<160000x128xf32, #tpu.memory_space<hbm>> -> memref<80x128xf32, #tpu.memory_space<hbm>>
      tpu.enqueue_dma source(%dma_start3A_44 : memref<80x128xf32, #tpu.memory_space<hbm>>) target(%arg11 : memref<80x128xf32, #tpu.memory_space<vmem>>) target_semaphore(%arg15 : memref<!tpu.dma_semaphore, #tpu.memory_space<semaphore_mem>>)
      %add3A_45 = arith.constant 0 : i32
      %add3A_46 = arith.addi %add3A_45, %add3A_40 : i32
      %dma_start3A_47 = tpu.memref_slice %arg4[%add3A_46] : memref<320000xi32, #tpu.memory_space<hbm>> -> memref<80xi32, #tpu.memory_space<hbm>>
      %dma_start3A_48 = tpu.memref_slice %arg4[%add3A_46] : memref<320000xi32, #tpu.memory_space<hbm>> -> memref<80xi32, #tpu.memory_space<hbm>>
      tpu.enqueue_dma source(%dma_start3A_48 : memref<80xi32, #tpu.memory_space<hbm>>) target(%arg13 : memref<80xi32, #tpu.memory_space<vmem>>) target_semaphore(%arg17 : memref<!tpu.dma_semaphore, #tpu.memory_space<semaphore_mem>>)
      %scan3A = arith.constant 0 : i32
      %scan3A_49 = arith.constant 0 : i32
      %scan3A_50 = arith.constant 62 : i32
      %scan3A_51 = arith.addi %scan3A_49, %scan3A_50 : i32
      %scan3A_52 = arith.constant 1 : i32
      scf.for %scan3A_63 = %scan3A_49 to %scan3A_51 step %scan3A_52  : i32 {
        %mul3A_64 = arith.constant 2 : i32
        %mul3A_65 = arith.muli %mul3A_64, %scan3A_63 : i32
        %dma_wait3A_66 = arith.constant 0 : i32
        %dma_wait3A_67 = arith.constant 0 : i32
        %dma_wait3A_68 = tpu.memref_slice %arg2[%dma_wait3A_66, %dma_wait3A_67] : memref<160000x128xf32, #tpu.memory_space<hbm>> -> memref<80x128xf32, #tpu.memory_space<hbm>>
        %dma_wait3A_69 = arith.constant 0 : i32
        %dma_wait3A_70 = arith.constant 0 : i32
        %dma_wait3A_71 = tpu.memref_slice %arg2[%dma_wait3A_69, %dma_wait3A_70] : memref<160000x128xf32, #tpu.memory_space<hbm>> -> memref<80x128xf32, #tpu.memory_space<hbm>>
        tpu.wait_dma2 semaphore(%arg14 : memref<!tpu.dma_semaphore, #tpu.memory_space<semaphore_mem>>) src(%dma_wait3A_71 : memref<80x128xf32, #tpu.memory_space<hbm>>) dst(%arg10 : memref<80x128xf32, #tpu.memory_space<vmem>>)
        %dma_wait3A_72 = arith.constant 0 : i32
        %dma_wait3A_73 = tpu.memref_slice %arg4[%dma_wait3A_72] : memref<320000xi32, #tpu.memory_space<hbm>> -> memref<80xi32, #tpu.memory_space<hbm>>
        %dma_wait3A_74 = arith.constant 0 : i32
        %dma_wait3A_75 = tpu.memref_slice %arg4[%dma_wait3A_74] : memref<320000xi32, #tpu.memory_space<hbm>> -> memref<80xi32, #tpu.memory_space<hbm>>
        tpu.wait_dma2 semaphore(%arg16 : memref<!tpu.dma_semaphore, #tpu.memory_space<semaphore_mem>>) src(%dma_wait3A_75 : memref<80xi32, #tpu.memory_space<hbm>>) dst(%arg12 : memref<80xi32, #tpu.memory_space<vmem>>)
        "tpu.region"() ({
          %run_scoped3A = tpu.sem_alloc : memref<!tpu.dma_semaphore, #tpu.memory_space<semaphore_mem>>
          %dma_start3A_99 = arith.constant 0 : i32
          %dma_start3A_100 = arith.constant 0 : i32
          %dma_start3A_101 = tpu.memref_slice %arg9[%dma_start3A_99, %dma_start3A_100] : memref<10000x128xf32, #tpu.memory_space<vmem_shared>> -> memref<10000x128xf32, #tpu.memory_space<vmem_shared>>
          tpu.enqueue_indirect_dma source(%arg10 : memref<80x128xf32, #tpu.memory_space<vmem>>) target(%dma_start3A_101 : memref<10000x128xf32, #tpu.memory_space<vmem_shared>>) offsets(%arg12 : memref<80xi32, #tpu.memory_space<vmem>>) semaphore(%run_scoped3A : memref<!tpu.dma_semaphore, #tpu.memory_space<semaphore_mem>>) {add = true}
          %dma_wait3A_102 = arith.constant 0 : i32
          %dma_wait3A_103 = arith.constant 0 : i32
          %dma_wait3A_104 = tpu.memref_slice %arg9[%dma_wait3A_102, %dma_wait3A_103] : memref<10000x128xf32, #tpu.memory_space<vmem_shared>> -> memref<10000x128xf32, #tpu.memory_space<vmem_shared>>
          tpu.wait_indirect_dma semaphore(%run_scoped3A : memref<!tpu.dma_semaphore, #tpu.memory_space<semaphore_mem>>) src(%arg10 : memref<80x128xf32, #tpu.memory_space<vmem>>) dst(%dma_wait3A_104 : memref<10000x128xf32, #tpu.memory_space<vmem_shared>>)
          tpu.yield
        }) : () -> ()
        %add3A_76 = arith.constant 2 : i32
        %add3A_77 = arith.addi %mul3A_65, %add3A_76 : i32
        %lt3A = arith.constant 125 : i32
        %lt3A_78 = arith.cmpi slt, %add3A_77, %lt3A : i32
        %convert_element_type3A_79 = arith.extui %lt3A_78 : i1 to i32
        %cond3A_80 = arith.constant 0 : i32
        %cond3A_81 = arith.cmpi ne, %convert_element_type3A_79, %cond3A_80 : i32
        scf.if %cond3A_81 {
          %add3A_99 = arith.constant 2 : i32
          %add3A_100 = arith.addi %mul3A_65, %add3A_99 : i32
          %mul3A_101 = arith.constant 80 : i32
          %mul3A_102 = arith.muli %add3A_100, %mul3A_101 : i32
          %add3A_103 = arith.addi %mul3A_9, %mul3A_102 : i32
          %dma_start3A_104 = arith.constant 0 : i32
          %dma_start3A_105 = tpu.memref_slice %arg2[%add3A_103, %dma_start3A_104] : memref<160000x128xf32, #tpu.memory_space<hbm>> -> memref<80x128xf32, #tpu.memory_space<hbm>>
          %dma_start3A_106 = arith.constant 0 : i32
          %dma_start3A_107 = tpu.memref_slice %arg2[%add3A_103, %dma_start3A_106] : memref<160000x128xf32, #tpu.memory_space<hbm>> -> memref<80x128xf32, #tpu.memory_space<hbm>>
          tpu.enqueue_dma source(%dma_start3A_107 : memref<80x128xf32, #tpu.memory_space<hbm>>) target(%arg10 : memref<80x128xf32, #tpu.memory_space<vmem>>) target_semaphore(%arg14 : memref<!tpu.dma_semaphore, #tpu.memory_space<semaphore_mem>>)
          %add3A_108 = arith.constant 0 : i32
          %add3A_109 = arith.addi %add3A_108, %add3A_103 : i32
          %dma_start3A_110 = tpu.memref_slice %arg4[%add3A_109] : memref<320000xi32, #tpu.memory_space<hbm>> -> memref<80xi32, #tpu.memory_space<hbm>>
          %dma_start3A_111 = tpu.memref_slice %arg4[%add3A_109] : memref<320000xi32, #tpu.memory_space<hbm>> -> memref<80xi32, #tpu.memory_space<hbm>>
          tpu.enqueue_dma source(%dma_start3A_111 : memref<80xi32, #tpu.memory_space<hbm>>) target(%arg12 : memref<80xi32, #tpu.memory_space<vmem>>) target_semaphore(%arg16 : memref<!tpu.dma_semaphore, #tpu.memory_space<semaphore_mem>>)
        } else {
        }
        %dma_wait3A_82 = arith.constant 0 : i32
        %dma_wait3A_83 = arith.constant 0 : i32
        %dma_wait3A_84 = tpu.memref_slice %arg2[%dma_wait3A_82, %dma_wait3A_83] : memref<160000x128xf32, #tpu.memory_space<hbm>> -> memref<80x128xf32, #tpu.memory_space<hbm>>
        %dma_wait3A_85 = arith.constant 0 : i32
        %dma_wait3A_86 = arith.constant 0 : i32
        %dma_wait3A_87 = tpu.memref_slice %arg2[%dma_wait3A_85, %dma_wait3A_86] : memref<160000x128xf32, #tpu.memory_space<hbm>> -> memref<80x128xf32, #tpu.memory_space<hbm>>
        tpu.wait_dma2 semaphore(%arg15 : memref<!tpu.dma_semaphore, #tpu.memory_space<semaphore_mem>>) src(%dma_wait3A_87 : memref<80x128xf32, #tpu.memory_space<hbm>>) dst(%arg11 : memref<80x128xf32, #tpu.memory_space<vmem>>)
        %dma_wait3A_88 = arith.constant 0 : i32
        %dma_wait3A_89 = tpu.memref_slice %arg4[%dma_wait3A_88] : memref<320000xi32, #tpu.memory_space<hbm>> -> memref<80xi32, #tpu.memory_space<hbm>>
        %dma_wait3A_90 = arith.constant 0 : i32
        %dma_wait3A_91 = tpu.memref_slice %arg4[%dma_wait3A_90] : memref<320000xi32, #tpu.memory_space<hbm>> -> memref<80xi32, #tpu.memory_space<hbm>>
        tpu.wait_dma2 semaphore(%arg17 : memref<!tpu.dma_semaphore, #tpu.memory_space<semaphore_mem>>) src(%dma_wait3A_91 : memref<80xi32, #tpu.memory_space<hbm>>) dst(%arg13 : memref<80xi32, #tpu.memory_space<vmem>>)
        "tpu.region"() ({
          %run_scoped3A = tpu.sem_alloc : memref<!tpu.dma_semaphore, #tpu.memory_space<semaphore_mem>>
          %dma_start3A_99 = arith.constant 0 : i32
          %dma_start3A_100 = arith.constant 0 : i32
          %dma_start3A_101 = tpu.memref_slice %arg9[%dma_start3A_99, %dma_start3A_100] : memref<10000x128xf32, #tpu.memory_space<vmem_shared>> -> memref<10000x128xf32, #tpu.memory_space<vmem_shared>>
          tpu.enqueue_indirect_dma source(%arg11 : memref<80x128xf32, #tpu.memory_space<vmem>>) target(%dma_start3A_101 : memref<10000x128xf32, #tpu.memory_space<vmem_shared>>) offsets(%arg13 : memref<80xi32, #tpu.memory_space<vmem>>) semaphore(%run_scoped3A : memref<!tpu.dma_semaphore, #tpu.memory_space<semaphore_mem>>) {add = true}
          %dma_wait3A_102 = arith.constant 0 : i32
          %dma_wait3A_103 = arith.constant 0 : i32
          %dma_wait3A_104 = tpu.memref_slice %arg9[%dma_wait3A_102, %dma_wait3A_103] : memref<10000x128xf32, #tpu.memory_space<vmem_shared>> -> memref<10000x128xf32, #tpu.memory_space<vmem_shared>>
          tpu.wait_indirect_dma semaphore(%run_scoped3A : memref<!tpu.dma_semaphore, #tpu.memory_space<semaphore_mem>>) src(%arg11 : memref<80x128xf32, #tpu.memory_space<vmem>>) dst(%dma_wait3A_104 : memref<10000x128xf32, #tpu.memory_space<vmem_shared>>)
          tpu.yield
        }) : () -> ()
        %add3A_92 = arith.constant 3 : i32
        %add3A_93 = arith.addi %mul3A_65, %add3A_92 : i32
        %lt3A_94 = arith.constant 125 : i32
        %lt3A_95 = arith.cmpi slt, %add3A_93, %lt3A_94 : i32
        %convert_element_type3A_96 = arith.extui %lt3A_95 : i1 to i32
        %cond3A_97 = arith.constant 0 : i32
        %cond3A_98 = arith.cmpi ne, %convert_element_type3A_96, %cond3A_97 : i32
        scf.if %cond3A_98 {
          %add3A_99 = arith.constant 3 : i32
          %add3A_100 = arith.addi %mul3A_65, %add3A_99 : i32
          %mul3A_101 = arith.constant 80 : i32
          %mul3A_102 = arith.muli %add3A_100, %mul3A_101 : i32
          %add3A_103 = arith.addi %mul3A_9, %mul3A_102 : i32
          %dma_start3A_104 = arith.constant 0 : i32
          %dma_start3A_105 = tpu.memref_slice %arg2[%add3A_103, %dma_start3A_104] : memref<160000x128xf32, #tpu.memory_space<hbm>> -> memref<80x128xf32, #tpu.memory_space<hbm>>
          %dma_start3A_106 = arith.constant 0 : i32
          %dma_start3A_107 = tpu.memref_slice %arg2[%add3A_103, %dma_start3A_106] : memref<160000x128xf32, #tpu.memory_space<hbm>> -> memref<80x128xf32, #tpu.memory_space<hbm>>
          tpu.enqueue_dma source(%dma_start3A_107 : memref<80x128xf32, #tpu.memory_space<hbm>>) target(%arg11 : memref<80x128xf32, #tpu.memory_space<vmem>>) target_semaphore(%arg15 : memref<!tpu.dma_semaphore, #tpu.memory_space<semaphore_mem>>)
          %add3A_108 = arith.constant 0 : i32
          %add3A_109 = arith.addi %add3A_108, %add3A_103 : i32
          %dma_start3A_110 = tpu.memref_slice %arg4[%add3A_109] : memref<320000xi32, #tpu.memory_space<hbm>> -> memref<80xi32, #tpu.memory_space<hbm>>
          %dma_start3A_111 = tpu.memref_slice %arg4[%add3A_109] : memref<320000xi32, #tpu.memory_space<hbm>> -> memref<80xi32, #tpu.memory_space<hbm>>
          tpu.enqueue_dma source(%dma_start3A_111 : memref<80xi32, #tpu.memory_space<hbm>>) target(%arg13 : memref<80xi32, #tpu.memory_space<vmem>>) target_semaphore(%arg17 : memref<!tpu.dma_semaphore, #tpu.memory_space<semaphore_mem>>)
        } else {
        }
      }
      %scan3A_53 = arith.constant 62 : i32
      %dma_wait3A = arith.constant 0 : i32
      %dma_wait3A_54 = arith.constant 0 : i32
      %dma_wait3A_55 = tpu.memref_slice %arg2[%dma_wait3A, %dma_wait3A_54] : memref<160000x128xf32, #tpu.memory_space<hbm>> -> memref<80x128xf32, #tpu.memory_space<hbm>>
      %dma_wait3A_56 = arith.constant 0 : i32
      %dma_wait3A_57 = arith.constant 0 : i32
      %dma_wait3A_58 = tpu.memref_slice %arg2[%dma_wait3A_56, %dma_wait3A_57] : memref<160000x128xf32, #tpu.memory_space<hbm>> -> memref<80x128xf32, #tpu.memory_space<hbm>>
      tpu.wait_dma2 semaphore(%arg14 : memref<!tpu.dma_semaphore, #tpu.memory_space<semaphore_mem>>) src(%dma_wait3A_58 : memref<80x128xf32, #tpu.memory_space<hbm>>) dst(%arg10 : memref<80x128xf32, #tpu.memory_space<vmem>>)
      %dma_wait3A_59 = arith.constant 0 : i32
      %dma_wait3A_60 = tpu.memref_slice %arg4[%dma_wait3A_59] : memref<320000xi32, #tpu.memory_space<hbm>> -> memref<80xi32, #tpu.memory_space<hbm>>
      %dma_wait3A_61 = arith.constant 0 : i32
      %dma_wait3A_62 = tpu.memref_slice %arg4[%dma_wait3A_61] : memref<320000xi32, #tpu.memory_space<hbm>> -> memref<80xi32, #tpu.memory_space<hbm>>
      tpu.wait_dma2 semaphore(%arg16 : memref<!tpu.dma_semaphore, #tpu.memory_space<semaphore_mem>>) src(%dma_wait3A_62 : memref<80xi32, #tpu.memory_space<hbm>>) dst(%arg12 : memref<80xi32, #tpu.memory_space<vmem>>)
      "tpu.region"() ({
        %run_scoped3A = tpu.sem_alloc : memref<!tpu.dma_semaphore, #tpu.memory_space<semaphore_mem>>
        %dma_start3A_63 = arith.constant 0 : i32
        %dma_start3A_64 = arith.constant 0 : i32
        %dma_start3A_65 = tpu.memref_slice %arg9[%dma_start3A_63, %dma_start3A_64] : memref<10000x128xf32, #tpu.memory_space<vmem_shared>> -> memref<10000x128xf32, #tpu.memory_space<vmem_shared>>
        tpu.enqueue_indirect_dma source(%arg10 : memref<80x128xf32, #tpu.memory_space<vmem>>) target(%dma_start3A_65 : memref<10000x128xf32, #tpu.memory_space<vmem_shared>>) offsets(%arg12 : memref<80xi32, #tpu.memory_space<vmem>>) semaphore(%run_scoped3A : memref<!tpu.dma_semaphore, #tpu.memory_space<semaphore_mem>>) {add = true}
        %dma_wait3A_66 = arith.constant 0 : i32
        %dma_wait3A_67 = arith.constant 0 : i32
        %dma_wait3A_68 = tpu.memref_slice %arg9[%dma_wait3A_66, %dma_wait3A_67] : memref<10000x128xf32, #tpu.memory_space<vmem_shared>> -> memref<10000x128xf32, #tpu.memory_space<vmem_shared>>
        tpu.wait_indirect_dma semaphore(%run_scoped3A : memref<!tpu.dma_semaphore, #tpu.memory_space<semaphore_mem>>) src(%arg10 : memref<80x128xf32, #tpu.memory_space<vmem>>) dst(%dma_wait3A_68 : memref<10000x128xf32, #tpu.memory_space<vmem_shared>>)
        tpu.yield
      }) : () -> ()
    } else {
    }
    %eq3A_15 = arith.constant 1 : i32
    %eq3A_16 = arith.cmpi eq, %arg0, %eq3A_15 : i32
    %convert_element_type3A_17 = arith.extui %eq3A_16 : i1 to i32
    %cond3A_18 = arith.constant 0 : i32
    %cond3A_19 = arith.cmpi ne, %convert_element_type3A_17, %cond3A_18 : i32
    scf.if %cond3A_19 {
      %add3A = arith.constant 0 : i32
      %add3A_31 = arith.addi %mul3A_9, %add3A : i32
      %dma_start3A = arith.constant 0 : i32
      %dma_start3A_32 = tpu.memref_slice %arg3[%add3A_31, %dma_start3A] : memref<160000x128xf32, #tpu.memory_space<hbm>> -> memref<80x128xf32, #tpu.memory_space<hbm>>
      %dma_start3A_33 = arith.constant 0 : i32
      %dma_start3A_34 = tpu.memref_slice %arg3[%add3A_31, %dma_start3A_33] : memref<160000x128xf32, #tpu.memory_space<hbm>> -> memref<80x128xf32, #tpu.memory_space<hbm>>
      tpu.enqueue_dma source(%dma_start3A_34 : memref<80x128xf32, #tpu.memory_space<hbm>>) target(%arg10 : memref<80x128xf32, #tpu.memory_space<vmem>>) target_semaphore(%arg14 : memref<!tpu.dma_semaphore, #tpu.memory_space<semaphore_mem>>)
      %add3A_35 = arith.constant 0 : i32
      %add3A_36 = arith.addi %add3A_35, %add3A_31 : i32
      %dma_start3A_37 = tpu.memref_slice %arg4[%add3A_36] : memref<320000xi32, #tpu.memory_space<hbm>> -> memref<80xi32, #tpu.memory_space<hbm>>
      %dma_start3A_38 = tpu.memref_slice %arg4[%add3A_36] : memref<320000xi32, #tpu.memory_space<hbm>> -> memref<80xi32, #tpu.memory_space<hbm>>
      tpu.enqueue_dma source(%dma_start3A_38 : memref<80xi32, #tpu.memory_space<hbm>>) target(%arg12 : memref<80xi32, #tpu.memory_space<vmem>>) target_semaphore(%arg16 : memref<!tpu.dma_semaphore, #tpu.memory_space<semaphore_mem>>)
      %add3A_39 = arith.constant 80 : i32
      %add3A_40 = arith.addi %mul3A_9, %add3A_39 : i32
      %dma_start3A_41 = arith.constant 0 : i32
      %dma_start3A_42 = tpu.memref_slice %arg3[%add3A_40, %dma_start3A_41] : memref<160000x128xf32, #tpu.memory_space<hbm>> -> memref<80x128xf32, #tpu.memory_space<hbm>>
      %dma_start3A_43 = arith.constant 0 : i32
      %dma_start3A_44 = tpu.memref_slice %arg3[%add3A_40, %dma_start3A_43] : memref<160000x128xf32, #tpu.memory_space<hbm>> -> memref<80x128xf32, #tpu.memory_space<hbm>>
      tpu.enqueue_dma source(%dma_start3A_44 : memref<80x128xf32, #tpu.memory_space<hbm>>) target(%arg11 : memref<80x128xf32, #tpu.memory_space<vmem>>) target_semaphore(%arg15 : memref<!tpu.dma_semaphore, #tpu.memory_space<semaphore_mem>>)
      %add3A_45 = arith.constant 0 : i32
      %add3A_46 = arith.addi %add3A_45, %add3A_40 : i32
      %dma_start3A_47 = tpu.memref_slice %arg4[%add3A_46] : memref<320000xi32, #tpu.memory_space<hbm>> -> memref<80xi32, #tpu.memory_space<hbm>>
      %dma_start3A_48 = tpu.memref_slice %arg4[%add3A_46] : memref<320000xi32, #tpu.memory_space<hbm>> -> memref<80xi32, #tpu.memory_space<hbm>>
      tpu.enqueue_dma source(%dma_start3A_48 : memref<80xi32, #tpu.memory_space<hbm>>) target(%arg13 : memref<80xi32, #tpu.memory_space<vmem>>) target_semaphore(%arg17 : memref<!tpu.dma_semaphore, #tpu.memory_space<semaphore_mem>>)
      %scan3A = arith.constant 0 : i32
      %scan3A_49 = arith.constant 0 : i32
      %scan3A_50 = arith.constant 62 : i32
      %scan3A_51 = arith.addi %scan3A_49, %scan3A_50 : i32
      %scan3A_52 = arith.constant 1 : i32
      scf.for %scan3A_63 = %scan3A_49 to %scan3A_51 step %scan3A_52  : i32 {
        %mul3A_64 = arith.constant 2 : i32
        %mul3A_65 = arith.muli %mul3A_64, %scan3A_63 : i32
        %dma_wait3A_66 = arith.constant 0 : i32
        %dma_wait3A_67 = arith.constant 0 : i32
        %dma_wait3A_68 = tpu.memref_slice %arg3[%dma_wait3A_66, %dma_wait3A_67] : memref<160000x128xf32, #tpu.memory_space<hbm>> -> memref<80x128xf32, #tpu.memory_space<hbm>>
        %dma_wait3A_69 = arith.constant 0 : i32
        %dma_wait3A_70 = arith.constant 0 : i32
        %dma_wait3A_71 = tpu.memref_slice %arg3[%dma_wait3A_69, %dma_wait3A_70] : memref<160000x128xf32, #tpu.memory_space<hbm>> -> memref<80x128xf32, #tpu.memory_space<hbm>>
        tpu.wait_dma2 semaphore(%arg14 : memref<!tpu.dma_semaphore, #tpu.memory_space<semaphore_mem>>) src(%dma_wait3A_71 : memref<80x128xf32, #tpu.memory_space<hbm>>) dst(%arg10 : memref<80x128xf32, #tpu.memory_space<vmem>>)
        %dma_wait3A_72 = arith.constant 0 : i32
        %dma_wait3A_73 = tpu.memref_slice %arg4[%dma_wait3A_72] : memref<320000xi32, #tpu.memory_space<hbm>> -> memref<80xi32, #tpu.memory_space<hbm>>
        %dma_wait3A_74 = arith.constant 0 : i32
        %dma_wait3A_75 = tpu.memref_slice %arg4[%dma_wait3A_74] : memref<320000xi32, #tpu.memory_space<hbm>> -> memref<80xi32, #tpu.memory_space<hbm>>
        tpu.wait_dma2 semaphore(%arg16 : memref<!tpu.dma_semaphore, #tpu.memory_space<semaphore_mem>>) src(%dma_wait3A_75 : memref<80xi32, #tpu.memory_space<hbm>>) dst(%arg12 : memref<80xi32, #tpu.memory_space<vmem>>)
        "tpu.region"() ({
          %run_scoped3A = tpu.sem_alloc : memref<!tpu.dma_semaphore, #tpu.memory_space<semaphore_mem>>
          %dma_start3A_99 = arith.constant 0 : i32
          %dma_start3A_100 = arith.constant 0 : i32
          %dma_start3A_101 = tpu.memref_slice %arg9[%dma_start3A_99, %dma_start3A_100] : memref<10000x128xf32, #tpu.memory_space<vmem_shared>> -> memref<10000x128xf32, #tpu.memory_space<vmem_shared>>
          tpu.enqueue_indirect_dma source(%arg10 : memref<80x128xf32, #tpu.memory_space<vmem>>) target(%dma_start3A_101 : memref<10000x128xf32, #tpu.memory_space<vmem_shared>>) offsets(%arg12 : memref<80xi32, #tpu.memory_space<vmem>>) semaphore(%run_scoped3A : memref<!tpu.dma_semaphore, #tpu.memory_space<semaphore_mem>>) {add = true}
          %dma_wait3A_102 = arith.constant 0 : i32
          %dma_wait3A_103 = arith.constant 0 : i32
          %dma_wait3A_104 = tpu.memref_slice %arg9[%dma_wait3A_102, %dma_wait3A_103] : memref<10000x128xf32, #tpu.memory_space<vmem_shared>> -> memref<10000x128xf32, #tpu.memory_space<vmem_shared>>
          tpu.wait_indirect_dma semaphore(%run_scoped3A : memref<!tpu.dma_semaphore, #tpu.memory_space<semaphore_mem>>) src(%arg10 : memref<80x128xf32, #tpu.memory_space<vmem>>) dst(%dma_wait3A_104 : memref<10000x128xf32, #tpu.memory_space<vmem_shared>>)
          tpu.yield
        }) : () -> ()
        %add3A_76 = arith.constant 2 : i32
        %add3A_77 = arith.addi %mul3A_65, %add3A_76 : i32
        %lt3A = arith.constant 125 : i32
        %lt3A_78 = arith.cmpi slt, %add3A_77, %lt3A : i32
        %convert_element_type3A_79 = arith.extui %lt3A_78 : i1 to i32
        %cond3A_80 = arith.constant 0 : i32
        %cond3A_81 = arith.cmpi ne, %convert_element_type3A_79, %cond3A_80 : i32
        scf.if %cond3A_81 {
          %add3A_99 = arith.constant 2 : i32
          %add3A_100 = arith.addi %mul3A_65, %add3A_99 : i32
          %mul3A_101 = arith.constant 80 : i32
          %mul3A_102 = arith.muli %add3A_100, %mul3A_101 : i32
          %add3A_103 = arith.addi %mul3A_9, %mul3A_102 : i32
          %dma_start3A_104 = arith.constant 0 : i32
          %dma_start3A_105 = tpu.memref_slice %arg3[%add3A_103, %dma_start3A_104] : memref<160000x128xf32, #tpu.memory_space<hbm>> -> memref<80x128xf32, #tpu.memory_space<hbm>>
          %dma_start3A_106 = arith.constant 0 : i32
          %dma_start3A_107 = tpu.memref_slice %arg3[%add3A_103, %dma_start3A_106] : memref<160000x128xf32, #tpu.memory_space<hbm>> -> memref<80x128xf32, #tpu.memory_space<hbm>>
          tpu.enqueue_dma source(%dma_start3A_107 : memref<80x128xf32, #tpu.memory_space<hbm>>) target(%arg10 : memref<80x128xf32, #tpu.memory_space<vmem>>) target_semaphore(%arg14 : memref<!tpu.dma_semaphore, #tpu.memory_space<semaphore_mem>>)
          %add3A_108 = arith.constant 0 : i32
          %add3A_109 = arith.addi %add3A_108, %add3A_103 : i32
          %dma_start3A_110 = tpu.memref_slice %arg4[%add3A_109] : memref<320000xi32, #tpu.memory_space<hbm>> -> memref<80xi32, #tpu.memory_space<hbm>>
          %dma_start3A_111 = tpu.memref_slice %arg4[%add3A_109] : memref<320000xi32, #tpu.memory_space<hbm>> -> memref<80xi32, #tpu.memory_space<hbm>>
          tpu.enqueue_dma source(%dma_start3A_111 : memref<80xi32, #tpu.memory_space<hbm>>) target(%arg12 : memref<80xi32, #tpu.memory_space<vmem>>) target_semaphore(%arg16 : memref<!tpu.dma_semaphore, #tpu.memory_space<semaphore_mem>>)
        } else {
        }
        %dma_wait3A_82 = arith.constant 0 : i32
        %dma_wait3A_83 = arith.constant 0 : i32
        %dma_wait3A_84 = tpu.memref_slice %arg3[%dma_wait3A_82, %dma_wait3A_83] : memref<160000x128xf32, #tpu.memory_space<hbm>> -> memref<80x128xf32, #tpu.memory_space<hbm>>
        %dma_wait3A_85 = arith.constant 0 : i32
        %dma_wait3A_86 = arith.constant 0 : i32
        %dma_wait3A_87 = tpu.memref_slice %arg3[%dma_wait3A_85, %dma_wait3A_86] : memref<160000x128xf32, #tpu.memory_space<hbm>> -> memref<80x128xf32, #tpu.memory_space<hbm>>
        tpu.wait_dma2 semaphore(%arg15 : memref<!tpu.dma_semaphore, #tpu.memory_space<semaphore_mem>>) src(%dma_wait3A_87 : memref<80x128xf32, #tpu.memory_space<hbm>>) dst(%arg11 : memref<80x128xf32, #tpu.memory_space<vmem>>)
        %dma_wait3A_88 = arith.constant 0 : i32
        %dma_wait3A_89 = tpu.memref_slice %arg4[%dma_wait3A_88] : memref<320000xi32, #tpu.memory_space<hbm>> -> memref<80xi32, #tpu.memory_space<hbm>>
        %dma_wait3A_90 = arith.constant 0 : i32
        %dma_wait3A_91 = tpu.memref_slice %arg4[%dma_wait3A_90] : memref<320000xi32, #tpu.memory_space<hbm>> -> memref<80xi32, #tpu.memory_space<hbm>>
        tpu.wait_dma2 semaphore(%arg17 : memref<!tpu.dma_semaphore, #tpu.memory_space<semaphore_mem>>) src(%dma_wait3A_91 : memref<80xi32, #tpu.memory_space<hbm>>) dst(%arg13 : memref<80xi32, #tpu.memory_space<vmem>>)
        "tpu.region"() ({
          %run_scoped3A = tpu.sem_alloc : memref<!tpu.dma_semaphore, #tpu.memory_space<semaphore_mem>>
          %dma_start3A_99 = arith.constant 0 : i32
          %dma_start3A_100 = arith.constant 0 : i32
          %dma_start3A_101 = tpu.memref_slice %arg9[%dma_start3A_99, %dma_start3A_100] : memref<10000x128xf32, #tpu.memory_space<vmem_shared>> -> memref<10000x128xf32, #tpu.memory_space<vmem_shared>>
          tpu.enqueue_indirect_dma source(%arg11 : memref<80x128xf32, #tpu.memory_space<vmem>>) target(%dma_start3A_101 : memref<10000x128xf32, #tpu.memory_space<vmem_shared>>) offsets(%arg13 : memref<80xi32, #tpu.memory_space<vmem>>) semaphore(%run_scoped3A : memref<!tpu.dma_semaphore, #tpu.memory_space<semaphore_mem>>) {add = true}
          %dma_wait3A_102 = arith.constant 0 : i32
          %dma_wait3A_103 = arith.constant 0 : i32
          %dma_wait3A_104 = tpu.memref_slice %arg9[%dma_wait3A_102, %dma_wait3A_103] : memref<10000x128xf32, #tpu.memory_space<vmem_shared>> -> memref<10000x128xf32, #tpu.memory_space<vmem_shared>>
          tpu.wait_indirect_dma semaphore(%run_scoped3A : memref<!tpu.dma_semaphore, #tpu.memory_space<semaphore_mem>>) src(%arg11 : memref<80x128xf32, #tpu.memory_space<vmem>>) dst(%dma_wait3A_104 : memref<10000x128xf32, #tpu.memory_space<vmem_shared>>)
          tpu.yield
        }) : () -> ()
        %add3A_92 = arith.constant 3 : i32
        %add3A_93 = arith.addi %mul3A_65, %add3A_92 : i32
        %lt3A_94 = arith.constant 125 : i32
        %lt3A_95 = arith.cmpi slt, %add3A_93, %lt3A_94 : i32
        %convert_element_type3A_96 = arith.extui %lt3A_95 : i1 to i32
        %cond3A_97 = arith.constant 0 : i32
        %cond3A_98 = arith.cmpi ne, %convert_element_type3A_96, %cond3A_97 : i32
        scf.if %cond3A_98 {
          %add3A_99 = arith.constant 3 : i32
          %add3A_100 = arith.addi %mul3A_65, %add3A_99 : i32
          %mul3A_101 = arith.constant 80 : i32
          %mul3A_102 = arith.muli %add3A_100, %mul3A_101 : i32
          %add3A_103 = arith.addi %mul3A_9, %mul3A_102 : i32
          %dma_start3A_104 = arith.constant 0 : i32
          %dma_start3A_105 = tpu.memref_slice %arg3[%add3A_103, %dma_start3A_104] : memref<160000x128xf32, #tpu.memory_space<hbm>> -> memref<80x128xf32, #tpu.memory_space<hbm>>
          %dma_start3A_106 = arith.constant 0 : i32
          %dma_start3A_107 = tpu.memref_slice %arg3[%add3A_103, %dma_start3A_106] : memref<160000x128xf32, #tpu.memory_space<hbm>> -> memref<80x128xf32, #tpu.memory_space<hbm>>
          tpu.enqueue_dma source(%dma_start3A_107 : memref<80x128xf32, #tpu.memory_space<hbm>>) target(%arg11 : memref<80x128xf32, #tpu.memory_space<vmem>>) target_semaphore(%arg15 : memref<!tpu.dma_semaphore, #tpu.memory_space<semaphore_mem>>)
          %add3A_108 = arith.constant 0 : i32
          %add3A_109 = arith.addi %add3A_108, %add3A_103 : i32
          %dma_start3A_110 = tpu.memref_slice %arg4[%add3A_109] : memref<320000xi32, #tpu.memory_space<hbm>> -> memref<80xi32, #tpu.memory_space<hbm>>
          %dma_start3A_111 = tpu.memref_slice %arg4[%add3A_109] : memref<320000xi32, #tpu.memory_space<hbm>> -> memref<80xi32, #tpu.memory_space<hbm>>
          tpu.enqueue_dma source(%dma_start3A_111 : memref<80xi32, #tpu.memory_space<hbm>>) target(%arg13 : memref<80xi32, #tpu.memory_space<vmem>>) target_semaphore(%arg17 : memref<!tpu.dma_semaphore, #tpu.memory_space<semaphore_mem>>)
        } else {
        }
      }
      %scan3A_53 = arith.constant 62 : i32
      %dma_wait3A = arith.constant 0 : i32
      %dma_wait3A_54 = arith.constant 0 : i32
      %dma_wait3A_55 = tpu.memref_slice %arg3[%dma_wait3A, %dma_wait3A_54] : memref<160000x128xf32, #tpu.memory_space<hbm>> -> memref<80x128xf32, #tpu.memory_space<hbm>>
      %dma_wait3A_56 = arith.constant 0 : i32
      %dma_wait3A_57 = arith.constant 0 : i32
      %dma_wait3A_58 = tpu.memref_slice %arg3[%dma_wait3A_56, %dma_wait3A_57] : memref<160000x128xf32, #tpu.memory_space<hbm>> -> memref<80x128xf32, #tpu.memory_space<hbm>>
      tpu.wait_dma2 semaphore(%arg14 : memref<!tpu.dma_semaphore, #tpu.memory_space<semaphore_mem>>) src(%dma_wait3A_58 : memref<80x128xf32, #tpu.memory_space<hbm>>) dst(%arg10 : memref<80x128xf32, #tpu.memory_space<vmem>>)
      %dma_wait3A_59 = arith.constant 0 : i32
      %dma_wait3A_60 = tpu.memref_slice %arg4[%dma_wait3A_59] : memref<320000xi32, #tpu.memory_space<hbm>> -> memref<80xi32, #tpu.memory_space<hbm>>
      %dma_wait3A_61 = arith.constant 0 : i32
      %dma_wait3A_62 = tpu.memref_slice %arg4[%dma_wait3A_61] : memref<320000xi32, #tpu.memory_space<hbm>> -> memref<80xi32, #tpu.memory_space<hbm>>
      tpu.wait_dma2 semaphore(%arg16 : memref<!tpu.dma_semaphore, #tpu.memory_space<semaphore_mem>>) src(%dma_wait3A_62 : memref<80xi32, #tpu.memory_space<hbm>>) dst(%arg12 : memref<80xi32, #tpu.memory_space<vmem>>)
      "tpu.region"() ({
        %run_scoped3A = tpu.sem_alloc : memref<!tpu.dma_semaphore, #tpu.memory_space<semaphore_mem>>
        %dma_start3A_63 = arith.constant 0 : i32
        %dma_start3A_64 = arith.constant 0 : i32
        %dma_start3A_65 = tpu.memref_slice %arg9[%dma_start3A_63, %dma_start3A_64] : memref<10000x128xf32, #tpu.memory_space<vmem_shared>> -> memref<10000x128xf32, #tpu.memory_space<vmem_shared>>
        tpu.enqueue_indirect_dma source(%arg10 : memref<80x128xf32, #tpu.memory_space<vmem>>) target(%dma_start3A_65 : memref<10000x128xf32, #tpu.memory_space<vmem_shared>>) offsets(%arg12 : memref<80xi32, #tpu.memory_space<vmem>>) semaphore(%run_scoped3A : memref<!tpu.dma_semaphore, #tpu.memory_space<semaphore_mem>>) {add = true}
        %dma_wait3A_66 = arith.constant 0 : i32
        %dma_wait3A_67 = arith.constant 0 : i32
        %dma_wait3A_68 = tpu.memref_slice %arg9[%dma_wait3A_66, %dma_wait3A_67] : memref<10000x128xf32, #tpu.memory_space<vmem_shared>> -> memref<10000x128xf32, #tpu.memory_space<vmem_shared>>
        tpu.wait_indirect_dma semaphore(%run_scoped3A : memref<!tpu.dma_semaphore, #tpu.memory_space<semaphore_mem>>) src(%arg10 : memref<80x128xf32, #tpu.memory_space<vmem>>) dst(%dma_wait3A_68 : memref<10000x128xf32, #tpu.memory_space<vmem_shared>>)
        tpu.yield
      }) : () -> ()
    } else {
    }
    %barrier3A_20 = arith.constant 0 : index
    tpu.barrier barrier_id(%barrier3A_20)
    %eq3A_21 = arith.constant 0 : i32
    %eq3A_22 = arith.cmpi eq, %arg0, %eq3A_21 : i32
    %convert_element_type3A_23 = arith.extui %eq3A_22 : i1 to i32
    %cond3A_24 = arith.constant 0 : i32
    %cond3A_25 = arith.cmpi ne, %convert_element_type3A_23, %cond3A_24 : i32
    scf.if %cond3A_25 {
      "tpu.region"() ({
        %run_scoped3A = tpu.sem_alloc : memref<!tpu.dma_semaphore, #tpu.memory_space<semaphore_mem>>
        %dma_start3A = arith.constant 0 : i32
        %dma_start3A_36 = tpu.memref_slice %arg7[%mul3A_0, %dma_start3A] : memref<10000x128xf32, #tpu.memory_space<hbm>> -> memref<624x128xf32, #tpu.memory_space<hbm>>
        %dma_start3A_37 = arith.constant 0 : i32
        %dma_start3A_38 = tpu.memref_slice %arg9[%mul3A_0, %dma_start3A_37] : memref<10000x128xf32, #tpu.memory_space<vmem_shared>> -> memref<624x128xf32, #tpu.memory_space<vmem_shared>>
        tpu.enqueue_dma source(%dma_start3A_38 : memref<624x128xf32, #tpu.memory_space<vmem_shared>>) target(%dma_start3A_36 : memref<624x128xf32, #tpu.memory_space<hbm>>) target_semaphore(%run_scoped3A : memref<!tpu.dma_semaphore, #tpu.memory_space<semaphore_mem>>)
        %dma_wait3A = arith.constant 0 : i32
        %dma_wait3A_39 = tpu.memref_slice %arg7[%mul3A_0, %dma_wait3A] : memref<10000x128xf32, #tpu.memory_space<hbm>> -> memref<624x128xf32, #tpu.memory_space<hbm>>
        %dma_wait3A_40 = arith.constant 0 : i32
        %dma_wait3A_41 = tpu.memref_slice %arg9[%mul3A_0, %dma_wait3A_40] : memref<10000x128xf32, #tpu.memory_space<vmem_shared>> -> memref<624x128xf32, #tpu.memory_space<vmem_shared>>
        tpu.wait_dma2 semaphore(%run_scoped3A : memref<!tpu.dma_semaphore, #tpu.memory_space<semaphore_mem>>) src(%dma_wait3A_41 : memref<624x128xf32, #tpu.memory_space<vmem_shared>>) dst(%dma_wait3A_39 : memref<624x128xf32, #tpu.memory_space<hbm>>)
        tpu.yield
      }) : () -> ()
      %eq3A_31 = arith.constant 15 : i32
      %eq3A_32 = arith.cmpi eq, %arg1, %eq3A_31 : i32
      %convert_element_type3A_33 = arith.extui %eq3A_32 : i1 to i32
      %cond3A_34 = arith.constant 0 : i32
      %cond3A_35 = arith.cmpi ne, %convert_element_type3A_33, %cond3A_34 : i32
      scf.if %cond3A_35 {
        "tpu.region"() ({
          %run_scoped3A = tpu.sem_alloc : memref<!tpu.dma_semaphore, #tpu.memory_space<semaphore_mem>>
          %dma_start3A = arith.constant 9984 : i32
          %dma_start3A_36 = arith.constant 0 : i32
          %dma_start3A_37 = tpu.memref_slice %arg7[%dma_start3A, %dma_start3A_36] : memref<10000x128xf32, #tpu.memory_space<hbm>> -> memref<16x128xf32, #tpu.memory_space<hbm>>
          %dma_start3A_38 = arith.constant 9984 : i32
          %dma_start3A_39 = arith.constant 0 : i32
          %dma_start3A_40 = tpu.memref_slice %arg9[%dma_start3A_38, %dma_start3A_39] : memref<10000x128xf32, #tpu.memory_space<vmem_shared>> -> memref<16x128xf32, #tpu.memory_space<vmem_shared>>
          tpu.enqueue_dma source(%dma_start3A_40 : memref<16x128xf32, #tpu.memory_space<vmem_shared>>) target(%dma_start3A_37 : memref<16x128xf32, #tpu.memory_space<hbm>>) target_semaphore(%run_scoped3A : memref<!tpu.dma_semaphore, #tpu.memory_space<semaphore_mem>>)
          %dma_wait3A = arith.constant 9984 : i32
          %dma_wait3A_41 = arith.constant 0 : i32
          %dma_wait3A_42 = tpu.memref_slice %arg7[%dma_wait3A, %dma_wait3A_41] : memref<10000x128xf32, #tpu.memory_space<hbm>> -> memref<16x128xf32, #tpu.memory_space<hbm>>
          %dma_wait3A_43 = arith.constant 9984 : i32
          %dma_wait3A_44 = arith.constant 0 : i32
          %dma_wait3A_45 = tpu.memref_slice %arg9[%dma_wait3A_43, %dma_wait3A_44] : memref<10000x128xf32, #tpu.memory_space<vmem_shared>> -> memref<16x128xf32, #tpu.memory_space<vmem_shared>>
          tpu.wait_dma2 semaphore(%run_scoped3A : memref<!tpu.dma_semaphore, #tpu.memory_space<semaphore_mem>>) src(%dma_wait3A_45 : memref<16x128xf32, #tpu.memory_space<vmem_shared>>) dst(%dma_wait3A_42 : memref<16x128xf32, #tpu.memory_space<hbm>>)
          tpu.yield
        }) : () -> ()
      } else {
      }
    } else {
    }
    %eq3A_26 = arith.constant 1 : i32
    %eq3A_27 = arith.cmpi eq, %arg0, %eq3A_26 : i32
    %convert_element_type3A_28 = arith.extui %eq3A_27 : i1 to i32
    %cond3A_29 = arith.constant 0 : i32
    %cond3A_30 = arith.cmpi ne, %convert_element_type3A_28, %cond3A_29 : i32
    scf.if %cond3A_30 {
      "tpu.region"() ({
        %run_scoped3A = tpu.sem_alloc : memref<!tpu.dma_semaphore, #tpu.memory_space<semaphore_mem>>
        %dma_start3A = arith.constant 0 : i32
        %dma_start3A_36 = tpu.memref_slice %arg8[%mul3A_0, %dma_start3A] : memref<10000x128xf32, #tpu.memory_space<hbm>> -> memref<624x128xf32, #tpu.memory_space<hbm>>
        %dma_start3A_37 = arith.constant 0 : i32
        %dma_start3A_38 = tpu.memref_slice %arg9[%mul3A_0, %dma_start3A_37] : memref<10000x128xf32, #tpu.memory_space<vmem_shared>> -> memref<624x128xf32, #tpu.memory_space<vmem_shared>>
        tpu.enqueue_dma source(%dma_start3A_38 : memref<624x128xf32, #tpu.memory_space<vmem_shared>>) target(%dma_start3A_36 : memref<624x128xf32, #tpu.memory_space<hbm>>) target_semaphore(%run_scoped3A : memref<!tpu.dma_semaphore, #tpu.memory_space<semaphore_mem>>)
        %dma_wait3A = arith.constant 0 : i32
        %dma_wait3A_39 = tpu.memref_slice %arg8[%mul3A_0, %dma_wait3A] : memref<10000x128xf32, #tpu.memory_space<hbm>> -> memref<624x128xf32, #tpu.memory_space<hbm>>
        %dma_wait3A_40 = arith.constant 0 : i32
        %dma_wait3A_41 = tpu.memref_slice %arg9[%mul3A_0, %dma_wait3A_40] : memref<10000x128xf32, #tpu.memory_space<vmem_shared>> -> memref<624x128xf32, #tpu.memory_space<vmem_shared>>
        tpu.wait_dma2 semaphore(%run_scoped3A : memref<!tpu.dma_semaphore, #tpu.memory_space<semaphore_mem>>) src(%dma_wait3A_41 : memref<624x128xf32, #tpu.memory_space<vmem_shared>>) dst(%dma_wait3A_39 : memref<624x128xf32, #tpu.memory_space<hbm>>)
        tpu.yield
      }) : () -> ()
      %eq3A_31 = arith.constant 15 : i32
      %eq3A_32 = arith.cmpi eq, %arg1, %eq3A_31 : i32
      %convert_element_type3A_33 = arith.extui %eq3A_32 : i1 to i32
      %cond3A_34 = arith.constant 0 : i32
      %cond3A_35 = arith.cmpi ne, %convert_element_type3A_33, %cond3A_34 : i32
      scf.if %cond3A_35 {
        "tpu.region"() ({
          %run_scoped3A = tpu.sem_alloc : memref<!tpu.dma_semaphore, #tpu.memory_space<semaphore_mem>>
          %dma_start3A = arith.constant 9984 : i32
          %dma_start3A_36 = arith.constant 0 : i32
          %dma_start3A_37 = tpu.memref_slice %arg8[%dma_start3A, %dma_start3A_36] : memref<10000x128xf32, #tpu.memory_space<hbm>> -> memref<16x128xf32, #tpu.memory_space<hbm>>
          %dma_start3A_38 = arith.constant 9984 : i32
          %dma_start3A_39 = arith.constant 0 : i32
          %dma_start3A_40 = tpu.memref_slice %arg9[%dma_start3A_38, %dma_start3A_39] : memref<10000x128xf32, #tpu.memory_space<vmem_shared>> -> memref<16x128xf32, #tpu.memory_space<vmem_shared>>
          tpu.enqueue_dma source(%dma_start3A_40 : memref<16x128xf32, #tpu.memory_space<vmem_shared>>) target(%dma_start3A_37 : memref<16x128xf32, #tpu.memory_space<hbm>>) target_semaphore(%run_scoped3A : memref<!tpu.dma_semaphore, #tpu.memory_space<semaphore_mem>>)
          %dma_wait3A = arith.constant 9984 : i32
          %dma_wait3A_41 = arith.constant 0 : i32
          %dma_wait3A_42 = tpu.memref_slice %arg8[%dma_wait3A, %dma_wait3A_41] : memref<10000x128xf32, #tpu.memory_space<hbm>> -> memref<16x128xf32, #tpu.memory_space<hbm>>
          %dma_wait3A_43 = arith.constant 9984 : i32
          %dma_wait3A_44 = arith.constant 0 : i32
          %dma_wait3A_45 = tpu.memref_slice %arg9[%dma_wait3A_43, %dma_wait3A_44] : memref<10000x128xf32, #tpu.memory_space<vmem_shared>> -> memref<16x128xf32, #tpu.memory_space<vmem_shared>>
          tpu.wait_dma2 semaphore(%run_scoped3A : memref<!tpu.dma_semaphore, #tpu.memory_space<semaphore_mem>>) src(%dma_wait3A_45 : memref<16x128xf32, #tpu.memory_space<vmem_shared>>) dst(%dma_wait3A_42 : memref<16x128xf32, #tpu.memory_space<hbm>>)
          tpu.yield
        }) : () -> ()
      } else {
      }
    } else {
    }
    return
  }
}

#map = affine_map<(d0, d1) -> (0, 0)>
#map1 = affine_map<(d0, d1) -> (0)>
module attributes {stable_mosaic.version = 14 : i64} {
  func.func @_scatter_body(%arg0: i32, %arg1: i32, %arg2: memref<160000x128xf32, #tpu.memory_space<hbm>>, %arg3: memref<160000x128xf32, #tpu.memory_space<hbm>>, %arg4: memref<320000xi32, #tpu.memory_space<hbm>>, %arg5: memref<10000x128xf32, #tpu.memory_space<hbm>>, %arg6: memref<10000x128xf32, #tpu.memory_space<hbm>>, %arg7: memref<10000x128xf32, #tpu.memory_space<hbm>>, %arg8: memref<10000x128xf32, #tpu.memory_space<hbm>>, %arg9: memref<10000x128xf32, #tpu.memory_space<vmem_shared>>, %arg10: memref<80x128xf32, #tpu.memory_space<vmem>>, %arg11: memref<80x128xf32, #tpu.memory_space<vmem>>, %arg12: memref<80xi32, #tpu.memory_space<vmem>>, %arg13: memref<80xi32, #tpu.memory_space<vmem>>, %arg14: memref<!tpu.dma_semaphore, #tpu.memory_space<semaphore_mem>>, %arg15: memref<!tpu.dma_semaphore, #tpu.memory_space<semaphore_mem>>, %arg16: memref<!tpu.dma_semaphore, #tpu.memory_space<semaphore_mem>>, %arg17: memref<!tpu.dma_semaphore, #tpu.memory_space<semaphore_mem>>) attributes {dimension_semantics = [#tpu.dimension_semantics<core_parallel>, #tpu.dimension_semantics<subcore_parallel>], iteration_bounds = array<i64: 2, 16>, scalar_prefetch = 0 : i64, scratch_operands = 9 : i64, tpu.core_type = #tpu.core_type<sc_vector_subcore>, window_params = [{transform_indices = #map}, {transform_indices = #map}, {transform_indices = #map1}, {transform_indices = #map}, {transform_indices = #map}, {transform_indices = #map}, {transform_indices = #map}]} {
    %mul3A = arith.constant 624 : i32
    %mul3A_0 = arith.muli %arg1, %mul3A : i32
    %eq3A = arith.constant 0 : i32
    %eq3A_1 = arith.cmpi eq, %arg0, %eq3A : i32
    %convert_element_type3A = arith.extui %eq3A_1 : i1 to i32
    %cond3A = arith.constant 0 : i32
    %cond3A_2 = arith.cmpi ne, %convert_element_type3A, %cond3A : i32
    scf.if %cond3A_2 {
      "tpu.region"() ({
        %run_scoped3A = tpu.sem_alloc : memref<!tpu.dma_semaphore, #tpu.memory_space<semaphore_mem>>
        %dma_start3A = arith.constant 0 : i32
        %dma_start3A_36 = tpu.memref_slice %arg9[%mul3A_0, %dma_start3A] : memref<10000x128xf32, #tpu.memory_space<vmem_shared>> -> memref<624x128xf32, #tpu.memory_space<vmem_shared>>
        %dma_start3A_37 = arith.constant 0 : i32
        %dma_start3A_38 = tpu.memref_slice %arg5[%mul3A_0, %dma_start3A_37] : memref<10000x128xf32, #tpu.memory_space<hbm>> -> memref<624x128xf32, #tpu.memory_space<hbm>>
        tpu.enqueue_dma source(%dma_start3A_38 : memref<624x128xf32, #tpu.memory_space<hbm>>) target(%dma_start3A_36 : memref<624x128xf32, #tpu.memory_space<vmem_shared>>) target_semaphore(%run_scoped3A : memref<!tpu.dma_semaphore, #tpu.memory_space<semaphore_mem>>)
        %dma_wait3A = arith.constant 0 : i32
        %dma_wait3A_39 = tpu.memref_slice %arg9[%mul3A_0, %dma_wait3A] : memref<10000x128xf32, #tpu.memory_space<vmem_shared>> -> memref<624x128xf32, #tpu.memory_space<vmem_shared>>
        %dma_wait3A_40 = arith.constant 0 : i32
        %dma_wait3A_41 = tpu.memref_slice %arg5[%mul3A_0, %dma_wait3A_40] : memref<10000x128xf32, #tpu.memory_space<hbm>> -> memref<624x128xf32, #tpu.memory_space<hbm>>
        tpu.wait_dma2 semaphore(%run_scoped3A : memref<!tpu.dma_semaphore, #tpu.memory_space<semaphore_mem>>) src(%dma_wait3A_41 : memref<624x128xf32, #tpu.memory_space<hbm>>) dst(%dma_wait3A_39 : memref<624x128xf32, #tpu.memory_space<vmem_shared>>)
        tpu.yield
      }) : () -> ()
      %eq3A_31 = arith.constant 15 : i32
      %eq3A_32 = arith.cmpi eq, %arg1, %eq3A_31 : i32
      %convert_element_type3A_33 = arith.extui %eq3A_32 : i1 to i32
      %cond3A_34 = arith.constant 0 : i32
      %cond3A_35 = arith.cmpi ne, %convert_element_type3A_33, %cond3A_34 : i32
      scf.if %cond3A_35 {
        "tpu.region"() ({
          %run_scoped3A = tpu.sem_alloc : memref<!tpu.dma_semaphore, #tpu.memory_space<semaphore_mem>>
          %dma_start3A = arith.constant 9984 : i32
          %dma_start3A_36 = arith.constant 0 : i32
          %dma_start3A_37 = tpu.memref_slice %arg9[%dma_start3A, %dma_start3A_36] : memref<10000x128xf32, #tpu.memory_space<vmem_shared>> -> memref<16x128xf32, #tpu.memory_space<vmem_shared>>
          %dma_start3A_38 = arith.constant 9984 : i32
          %dma_start3A_39 = arith.constant 0 : i32
          %dma_start3A_40 = tpu.memref_slice %arg5[%dma_start3A_38, %dma_start3A_39] : memref<10000x128xf32, #tpu.memory_space<hbm>> -> memref<16x128xf32, #tpu.memory_space<hbm>>
          tpu.enqueue_dma source(%dma_start3A_40 : memref<16x128xf32, #tpu.memory_space<hbm>>) target(%dma_start3A_37 : memref<16x128xf32, #tpu.memory_space<vmem_shared>>) target_semaphore(%run_scoped3A : memref<!tpu.dma_semaphore, #tpu.memory_space<semaphore_mem>>)
          %dma_wait3A = arith.constant 9984 : i32
          %dma_wait3A_41 = arith.constant 0 : i32
          %dma_wait3A_42 = tpu.memref_slice %arg9[%dma_wait3A, %dma_wait3A_41] : memref<10000x128xf32, #tpu.memory_space<vmem_shared>> -> memref<16x128xf32, #tpu.memory_space<vmem_shared>>
          %dma_wait3A_43 = arith.constant 9984 : i32
          %dma_wait3A_44 = arith.constant 0 : i32
          %dma_wait3A_45 = tpu.memref_slice %arg5[%dma_wait3A_43, %dma_wait3A_44] : memref<10000x128xf32, #tpu.memory_space<hbm>> -> memref<16x128xf32, #tpu.memory_space<hbm>>
          tpu.wait_dma2 semaphore(%run_scoped3A : memref<!tpu.dma_semaphore, #tpu.memory_space<semaphore_mem>>) src(%dma_wait3A_45 : memref<16x128xf32, #tpu.memory_space<hbm>>) dst(%dma_wait3A_42 : memref<16x128xf32, #tpu.memory_space<vmem_shared>>)
          tpu.yield
        }) : () -> ()
      } else {
      }
    } else {
    }
    %eq3A_3 = arith.constant 1 : i32
    %eq3A_4 = arith.cmpi eq, %arg0, %eq3A_3 : i32
    %convert_element_type3A_5 = arith.extui %eq3A_4 : i1 to i32
    %cond3A_6 = arith.constant 0 : i32
    %cond3A_7 = arith.cmpi ne, %convert_element_type3A_5, %cond3A_6 : i32
    scf.if %cond3A_7 {
      "tpu.region"() ({
        %run_scoped3A = tpu.sem_alloc : memref<!tpu.dma_semaphore, #tpu.memory_space<semaphore_mem>>
        %dma_start3A = arith.constant 0 : i32
        %dma_start3A_36 = tpu.memref_slice %arg9[%mul3A_0, %dma_start3A] : memref<10000x128xf32, #tpu.memory_space<vmem_shared>> -> memref<624x128xf32, #tpu.memory_space<vmem_shared>>
        %dma_start3A_37 = arith.constant 0 : i32
        %dma_start3A_38 = tpu.memref_slice %arg6[%mul3A_0, %dma_start3A_37] : memref<10000x128xf32, #tpu.memory_space<hbm>> -> memref<624x128xf32, #tpu.memory_space<hbm>>
        tpu.enqueue_dma source(%dma_start3A_38 : memref<624x128xf32, #tpu.memory_space<hbm>>) target(%dma_start3A_36 : memref<624x128xf32, #tpu.memory_space<vmem_shared>>) target_semaphore(%run_scoped3A : memref<!tpu.dma_semaphore, #tpu.memory_space<semaphore_mem>>)
        %dma_wait3A = arith.constant 0 : i32
        %dma_wait3A_39 = tpu.memref_slice %arg9[%mul3A_0, %dma_wait3A] : memref<10000x128xf32, #tpu.memory_space<vmem_shared>> -> memref<624x128xf32, #tpu.memory_space<vmem_shared>>
        %dma_wait3A_40 = arith.constant 0 : i32
        %dma_wait3A_41 = tpu.memref_slice %arg6[%mul3A_0, %dma_wait3A_40] : memref<10000x128xf32, #tpu.memory_space<hbm>> -> memref<624x128xf32, #tpu.memory_space<hbm>>
        tpu.wait_dma2 semaphore(%run_scoped3A : memref<!tpu.dma_semaphore, #tpu.memory_space<semaphore_mem>>) src(%dma_wait3A_41 : memref<624x128xf32, #tpu.memory_space<hbm>>) dst(%dma_wait3A_39 : memref<624x128xf32, #tpu.memory_space<vmem_shared>>)
        tpu.yield
      }) : () -> ()
      %eq3A_31 = arith.constant 15 : i32
      %eq3A_32 = arith.cmpi eq, %arg1, %eq3A_31 : i32
      %convert_element_type3A_33 = arith.extui %eq3A_32 : i1 to i32
      %cond3A_34 = arith.constant 0 : i32
      %cond3A_35 = arith.cmpi ne, %convert_element_type3A_33, %cond3A_34 : i32
      scf.if %cond3A_35 {
        "tpu.region"() ({
          %run_scoped3A = tpu.sem_alloc : memref<!tpu.dma_semaphore, #tpu.memory_space<semaphore_mem>>
          %dma_start3A = arith.constant 9984 : i32
          %dma_start3A_36 = arith.constant 0 : i32
          %dma_start3A_37 = tpu.memref_slice %arg9[%dma_start3A, %dma_start3A_36] : memref<10000x128xf32, #tpu.memory_space<vmem_shared>> -> memref<16x128xf32, #tpu.memory_space<vmem_shared>>
          %dma_start3A_38 = arith.constant 9984 : i32
          %dma_start3A_39 = arith.constant 0 : i32
          %dma_start3A_40 = tpu.memref_slice %arg6[%dma_start3A_38, %dma_start3A_39] : memref<10000x128xf32, #tpu.memory_space<hbm>> -> memref<16x128xf32, #tpu.memory_space<hbm>>
          tpu.enqueue_dma source(%dma_start3A_40 : memref<16x128xf32, #tpu.memory_space<hbm>>) target(%dma_start3A_37 : memref<16x128xf32, #tpu.memory_space<vmem_shared>>) target_semaphore(%run_scoped3A : memref<!tpu.dma_semaphore, #tpu.memory_space<semaphore_mem>>)
          %dma_wait3A = arith.constant 9984 : i32
          %dma_wait3A_41 = arith.constant 0 : i32
          %dma_wait3A_42 = tpu.memref_slice %arg9[%dma_wait3A, %dma_wait3A_41] : memref<10000x128xf32, #tpu.memory_space<vmem_shared>> -> memref<16x128xf32, #tpu.memory_space<vmem_shared>>
          %dma_wait3A_43 = arith.constant 9984 : i32
          %dma_wait3A_44 = arith.constant 0 : i32
          %dma_wait3A_45 = tpu.memref_slice %arg6[%dma_wait3A_43, %dma_wait3A_44] : memref<10000x128xf32, #tpu.memory_space<hbm>> -> memref<16x128xf32, #tpu.memory_space<hbm>>
          tpu.wait_dma2 semaphore(%run_scoped3A : memref<!tpu.dma_semaphore, #tpu.memory_space<semaphore_mem>>) src(%dma_wait3A_45 : memref<16x128xf32, #tpu.memory_space<hbm>>) dst(%dma_wait3A_42 : memref<16x128xf32, #tpu.memory_space<vmem_shared>>)
          tpu.yield
        }) : () -> ()
      } else {
      }
    } else {
    }
    %barrier3A = arith.constant 0 : index
    tpu.barrier barrier_id(%barrier3A)
    %mul3A_8 = arith.constant 10000 : i32
    %mul3A_9 = arith.muli %arg1, %mul3A_8 : i32
    %eq3A_10 = arith.constant 0 : i32
    %eq3A_11 = arith.cmpi eq, %arg0, %eq3A_10 : i32
    %convert_element_type3A_12 = arith.extui %eq3A_11 : i1 to i32
    %cond3A_13 = arith.constant 0 : i32
    %cond3A_14 = arith.cmpi ne, %convert_element_type3A_12, %cond3A_13 : i32
    scf.if %cond3A_14 {
      %add3A = arith.constant 0 : i32
      %add3A_31 = arith.addi %mul3A_9, %add3A : i32
      %dma_start3A = arith.constant 0 : i32
      %dma_start3A_32 = tpu.memref_slice %arg2[%add3A_31, %dma_start3A] : memref<160000x128xf32, #tpu.memory_space<hbm>> -> memref<80x128xf32, #tpu.memory_space<hbm>>
      %dma_start3A_33 = arith.constant 0 : i32
      %dma_start3A_34 = tpu.memref_slice %arg2[%add3A_31, %dma_start3A_33] : memref<160000x128xf32, #tpu.memory_space<hbm>> -> memref<80x128xf32, #tpu.memory_space<hbm>>
      tpu.enqueue_dma source(%dma_start3A_34 : memref<80x128xf32, #tpu.memory_space<hbm>>) target(%arg10 : memref<80x128xf32, #tpu.memory_space<vmem>>) target_semaphore(%arg14 : memref<!tpu.dma_semaphore, #tpu.memory_space<semaphore_mem>>)
      %add3A_35 = arith.constant 160000 : i32
      %add3A_36 = arith.addi %add3A_35, %add3A_31 : i32
      %dma_start3A_37 = tpu.memref_slice %arg4[%add3A_36] : memref<320000xi32, #tpu.memory_space<hbm>> -> memref<80xi32, #tpu.memory_space<hbm>>
      %dma_start3A_38 = tpu.memref_slice %arg4[%add3A_36] : memref<320000xi32, #tpu.memory_space<hbm>> -> memref<80xi32, #tpu.memory_space<hbm>>
      tpu.enqueue_dma source(%dma_start3A_38 : memref<80xi32, #tpu.memory_space<hbm>>) target(%arg12 : memref<80xi32, #tpu.memory_space<vmem>>) target_semaphore(%arg16 : memref<!tpu.dma_semaphore, #tpu.memory_space<semaphore_mem>>)
      %add3A_39 = arith.constant 80 : i32
      %add3A_40 = arith.addi %mul3A_9, %add3A_39 : i32
      %dma_start3A_41 = arith.constant 0 : i32
      %dma_start3A_42 = tpu.memref_slice %arg2[%add3A_40, %dma_start3A_41] : memref<160000x128xf32, #tpu.memory_space<hbm>> -> memref<80x128xf32, #tpu.memory_space<hbm>>
      %dma_start3A_43 = arith.constant 0 : i32
      %dma_start3A_44 = tpu.memref_slice %arg2[%add3A_40, %dma_start3A_43] : memref<160000x128xf32, #tpu.memory_space<hbm>> -> memref<80x128xf32, #tpu.memory_space<hbm>>
      tpu.enqueue_dma source(%dma_start3A_44 : memref<80x128xf32, #tpu.memory_space<hbm>>) target(%arg11 : memref<80x128xf32, #tpu.memory_space<vmem>>) target_semaphore(%arg15 : memref<!tpu.dma_semaphore, #tpu.memory_space<semaphore_mem>>)
      %add3A_45 = arith.constant 160000 : i32
      %add3A_46 = arith.addi %add3A_45, %add3A_40 : i32
      %dma_start3A_47 = tpu.memref_slice %arg4[%add3A_46] : memref<320000xi32, #tpu.memory_space<hbm>> -> memref<80xi32, #tpu.memory_space<hbm>>
      %dma_start3A_48 = tpu.memref_slice %arg4[%add3A_46] : memref<320000xi32, #tpu.memory_space<hbm>> -> memref<80xi32, #tpu.memory_space<hbm>>
      tpu.enqueue_dma source(%dma_start3A_48 : memref<80xi32, #tpu.memory_space<hbm>>) target(%arg13 : memref<80xi32, #tpu.memory_space<vmem>>) target_semaphore(%arg17 : memref<!tpu.dma_semaphore, #tpu.memory_space<semaphore_mem>>)
      %scan3A = arith.constant 0 : i32
      %scan3A_49 = arith.constant 0 : i32
      %scan3A_50 = arith.constant 62 : i32
      %scan3A_51 = arith.addi %scan3A_49, %scan3A_50 : i32
      %scan3A_52 = arith.constant 1 : i32
      scf.for %scan3A_63 = %scan3A_49 to %scan3A_51 step %scan3A_52  : i32 {
        %mul3A_64 = arith.constant 2 : i32
        %mul3A_65 = arith.muli %mul3A_64, %scan3A_63 : i32
        %dma_wait3A_66 = arith.constant 0 : i32
        %dma_wait3A_67 = arith.constant 0 : i32
        %dma_wait3A_68 = tpu.memref_slice %arg2[%dma_wait3A_66, %dma_wait3A_67] : memref<160000x128xf32, #tpu.memory_space<hbm>> -> memref<80x128xf32, #tpu.memory_space<hbm>>
        %dma_wait3A_69 = arith.constant 0 : i32
        %dma_wait3A_70 = arith.constant 0 : i32
        %dma_wait3A_71 = tpu.memref_slice %arg2[%dma_wait3A_69, %dma_wait3A_70] : memref<160000x128xf32, #tpu.memory_space<hbm>> -> memref<80x128xf32, #tpu.memory_space<hbm>>
        tpu.wait_dma2 semaphore(%arg14 : memref<!tpu.dma_semaphore, #tpu.memory_space<semaphore_mem>>) src(%dma_wait3A_71 : memref<80x128xf32, #tpu.memory_space<hbm>>) dst(%arg10 : memref<80x128xf32, #tpu.memory_space<vmem>>)
        %dma_wait3A_72 = arith.constant 0 : i32
        %dma_wait3A_73 = tpu.memref_slice %arg4[%dma_wait3A_72] : memref<320000xi32, #tpu.memory_space<hbm>> -> memref<80xi32, #tpu.memory_space<hbm>>
        %dma_wait3A_74 = arith.constant 0 : i32
        %dma_wait3A_75 = tpu.memref_slice %arg4[%dma_wait3A_74] : memref<320000xi32, #tpu.memory_space<hbm>> -> memref<80xi32, #tpu.memory_space<hbm>>
        tpu.wait_dma2 semaphore(%arg16 : memref<!tpu.dma_semaphore, #tpu.memory_space<semaphore_mem>>) src(%dma_wait3A_75 : memref<80xi32, #tpu.memory_space<hbm>>) dst(%arg12 : memref<80xi32, #tpu.memory_space<vmem>>)
        "tpu.region"() ({
          %run_scoped3A = tpu.sem_alloc : memref<!tpu.dma_semaphore, #tpu.memory_space<semaphore_mem>>
          %dma_start3A_99 = arith.constant 0 : i32
          %dma_start3A_100 = arith.constant 0 : i32
          %dma_start3A_101 = tpu.memref_slice %arg9[%dma_start3A_99, %dma_start3A_100] : memref<10000x128xf32, #tpu.memory_space<vmem_shared>> -> memref<10000x128xf32, #tpu.memory_space<vmem_shared>>
          tpu.enqueue_indirect_dma source(%arg10 : memref<80x128xf32, #tpu.memory_space<vmem>>) target(%dma_start3A_101 : memref<10000x128xf32, #tpu.memory_space<vmem_shared>>) offsets(%arg12 : memref<80xi32, #tpu.memory_space<vmem>>) semaphore(%run_scoped3A : memref<!tpu.dma_semaphore, #tpu.memory_space<semaphore_mem>>) {add = true}
          %dma_wait3A_102 = arith.constant 0 : i32
          %dma_wait3A_103 = arith.constant 0 : i32
          %dma_wait3A_104 = tpu.memref_slice %arg9[%dma_wait3A_102, %dma_wait3A_103] : memref<10000x128xf32, #tpu.memory_space<vmem_shared>> -> memref<10000x128xf32, #tpu.memory_space<vmem_shared>>
          tpu.wait_indirect_dma semaphore(%run_scoped3A : memref<!tpu.dma_semaphore, #tpu.memory_space<semaphore_mem>>) src(%arg10 : memref<80x128xf32, #tpu.memory_space<vmem>>) dst(%dma_wait3A_104 : memref<10000x128xf32, #tpu.memory_space<vmem_shared>>)
          tpu.yield
        }) : () -> ()
        %add3A_76 = arith.constant 2 : i32
        %add3A_77 = arith.addi %mul3A_65, %add3A_76 : i32
        %lt3A = arith.constant 125 : i32
        %lt3A_78 = arith.cmpi slt, %add3A_77, %lt3A : i32
        %convert_element_type3A_79 = arith.extui %lt3A_78 : i1 to i32
        %cond3A_80 = arith.constant 0 : i32
        %cond3A_81 = arith.cmpi ne, %convert_element_type3A_79, %cond3A_80 : i32
        scf.if %cond3A_81 {
          %add3A_99 = arith.constant 2 : i32
          %add3A_100 = arith.addi %mul3A_65, %add3A_99 : i32
          %mul3A_101 = arith.constant 80 : i32
          %mul3A_102 = arith.muli %add3A_100, %mul3A_101 : i32
          %add3A_103 = arith.addi %mul3A_9, %mul3A_102 : i32
          %dma_start3A_104 = arith.constant 0 : i32
          %dma_start3A_105 = tpu.memref_slice %arg2[%add3A_103, %dma_start3A_104] : memref<160000x128xf32, #tpu.memory_space<hbm>> -> memref<80x128xf32, #tpu.memory_space<hbm>>
          %dma_start3A_106 = arith.constant 0 : i32
          %dma_start3A_107 = tpu.memref_slice %arg2[%add3A_103, %dma_start3A_106] : memref<160000x128xf32, #tpu.memory_space<hbm>> -> memref<80x128xf32, #tpu.memory_space<hbm>>
          tpu.enqueue_dma source(%dma_start3A_107 : memref<80x128xf32, #tpu.memory_space<hbm>>) target(%arg10 : memref<80x128xf32, #tpu.memory_space<vmem>>) target_semaphore(%arg14 : memref<!tpu.dma_semaphore, #tpu.memory_space<semaphore_mem>>)
          %add3A_108 = arith.constant 160000 : i32
          %add3A_109 = arith.addi %add3A_108, %add3A_103 : i32
          %dma_start3A_110 = tpu.memref_slice %arg4[%add3A_109] : memref<320000xi32, #tpu.memory_space<hbm>> -> memref<80xi32, #tpu.memory_space<hbm>>
          %dma_start3A_111 = tpu.memref_slice %arg4[%add3A_109] : memref<320000xi32, #tpu.memory_space<hbm>> -> memref<80xi32, #tpu.memory_space<hbm>>
          tpu.enqueue_dma source(%dma_start3A_111 : memref<80xi32, #tpu.memory_space<hbm>>) target(%arg12 : memref<80xi32, #tpu.memory_space<vmem>>) target_semaphore(%arg16 : memref<!tpu.dma_semaphore, #tpu.memory_space<semaphore_mem>>)
        } else {
        }
        %dma_wait3A_82 = arith.constant 0 : i32
        %dma_wait3A_83 = arith.constant 0 : i32
        %dma_wait3A_84 = tpu.memref_slice %arg2[%dma_wait3A_82, %dma_wait3A_83] : memref<160000x128xf32, #tpu.memory_space<hbm>> -> memref<80x128xf32, #tpu.memory_space<hbm>>
        %dma_wait3A_85 = arith.constant 0 : i32
        %dma_wait3A_86 = arith.constant 0 : i32
        %dma_wait3A_87 = tpu.memref_slice %arg2[%dma_wait3A_85, %dma_wait3A_86] : memref<160000x128xf32, #tpu.memory_space<hbm>> -> memref<80x128xf32, #tpu.memory_space<hbm>>
        tpu.wait_dma2 semaphore(%arg15 : memref<!tpu.dma_semaphore, #tpu.memory_space<semaphore_mem>>) src(%dma_wait3A_87 : memref<80x128xf32, #tpu.memory_space<hbm>>) dst(%arg11 : memref<80x128xf32, #tpu.memory_space<vmem>>)
        %dma_wait3A_88 = arith.constant 0 : i32
        %dma_wait3A_89 = tpu.memref_slice %arg4[%dma_wait3A_88] : memref<320000xi32, #tpu.memory_space<hbm>> -> memref<80xi32, #tpu.memory_space<hbm>>
        %dma_wait3A_90 = arith.constant 0 : i32
        %dma_wait3A_91 = tpu.memref_slice %arg4[%dma_wait3A_90] : memref<320000xi32, #tpu.memory_space<hbm>> -> memref<80xi32, #tpu.memory_space<hbm>>
        tpu.wait_dma2 semaphore(%arg17 : memref<!tpu.dma_semaphore, #tpu.memory_space<semaphore_mem>>) src(%dma_wait3A_91 : memref<80xi32, #tpu.memory_space<hbm>>) dst(%arg13 : memref<80xi32, #tpu.memory_space<vmem>>)
        "tpu.region"() ({
          %run_scoped3A = tpu.sem_alloc : memref<!tpu.dma_semaphore, #tpu.memory_space<semaphore_mem>>
          %dma_start3A_99 = arith.constant 0 : i32
          %dma_start3A_100 = arith.constant 0 : i32
          %dma_start3A_101 = tpu.memref_slice %arg9[%dma_start3A_99, %dma_start3A_100] : memref<10000x128xf32, #tpu.memory_space<vmem_shared>> -> memref<10000x128xf32, #tpu.memory_space<vmem_shared>>
          tpu.enqueue_indirect_dma source(%arg11 : memref<80x128xf32, #tpu.memory_space<vmem>>) target(%dma_start3A_101 : memref<10000x128xf32, #tpu.memory_space<vmem_shared>>) offsets(%arg13 : memref<80xi32, #tpu.memory_space<vmem>>) semaphore(%run_scoped3A : memref<!tpu.dma_semaphore, #tpu.memory_space<semaphore_mem>>) {add = true}
          %dma_wait3A_102 = arith.constant 0 : i32
          %dma_wait3A_103 = arith.constant 0 : i32
          %dma_wait3A_104 = tpu.memref_slice %arg9[%dma_wait3A_102, %dma_wait3A_103] : memref<10000x128xf32, #tpu.memory_space<vmem_shared>> -> memref<10000x128xf32, #tpu.memory_space<vmem_shared>>
          tpu.wait_indirect_dma semaphore(%run_scoped3A : memref<!tpu.dma_semaphore, #tpu.memory_space<semaphore_mem>>) src(%arg11 : memref<80x128xf32, #tpu.memory_space<vmem>>) dst(%dma_wait3A_104 : memref<10000x128xf32, #tpu.memory_space<vmem_shared>>)
          tpu.yield
        }) : () -> ()
        %add3A_92 = arith.constant 3 : i32
        %add3A_93 = arith.addi %mul3A_65, %add3A_92 : i32
        %lt3A_94 = arith.constant 125 : i32
        %lt3A_95 = arith.cmpi slt, %add3A_93, %lt3A_94 : i32
        %convert_element_type3A_96 = arith.extui %lt3A_95 : i1 to i32
        %cond3A_97 = arith.constant 0 : i32
        %cond3A_98 = arith.cmpi ne, %convert_element_type3A_96, %cond3A_97 : i32
        scf.if %cond3A_98 {
          %add3A_99 = arith.constant 3 : i32
          %add3A_100 = arith.addi %mul3A_65, %add3A_99 : i32
          %mul3A_101 = arith.constant 80 : i32
          %mul3A_102 = arith.muli %add3A_100, %mul3A_101 : i32
          %add3A_103 = arith.addi %mul3A_9, %mul3A_102 : i32
          %dma_start3A_104 = arith.constant 0 : i32
          %dma_start3A_105 = tpu.memref_slice %arg2[%add3A_103, %dma_start3A_104] : memref<160000x128xf32, #tpu.memory_space<hbm>> -> memref<80x128xf32, #tpu.memory_space<hbm>>
          %dma_start3A_106 = arith.constant 0 : i32
          %dma_start3A_107 = tpu.memref_slice %arg2[%add3A_103, %dma_start3A_106] : memref<160000x128xf32, #tpu.memory_space<hbm>> -> memref<80x128xf32, #tpu.memory_space<hbm>>
          tpu.enqueue_dma source(%dma_start3A_107 : memref<80x128xf32, #tpu.memory_space<hbm>>) target(%arg11 : memref<80x128xf32, #tpu.memory_space<vmem>>) target_semaphore(%arg15 : memref<!tpu.dma_semaphore, #tpu.memory_space<semaphore_mem>>)
          %add3A_108 = arith.constant 160000 : i32
          %add3A_109 = arith.addi %add3A_108, %add3A_103 : i32
          %dma_start3A_110 = tpu.memref_slice %arg4[%add3A_109] : memref<320000xi32, #tpu.memory_space<hbm>> -> memref<80xi32, #tpu.memory_space<hbm>>
          %dma_start3A_111 = tpu.memref_slice %arg4[%add3A_109] : memref<320000xi32, #tpu.memory_space<hbm>> -> memref<80xi32, #tpu.memory_space<hbm>>
          tpu.enqueue_dma source(%dma_start3A_111 : memref<80xi32, #tpu.memory_space<hbm>>) target(%arg13 : memref<80xi32, #tpu.memory_space<vmem>>) target_semaphore(%arg17 : memref<!tpu.dma_semaphore, #tpu.memory_space<semaphore_mem>>)
        } else {
        }
      }
      %scan3A_53 = arith.constant 62 : i32
      %dma_wait3A = arith.constant 0 : i32
      %dma_wait3A_54 = arith.constant 0 : i32
      %dma_wait3A_55 = tpu.memref_slice %arg2[%dma_wait3A, %dma_wait3A_54] : memref<160000x128xf32, #tpu.memory_space<hbm>> -> memref<80x128xf32, #tpu.memory_space<hbm>>
      %dma_wait3A_56 = arith.constant 0 : i32
      %dma_wait3A_57 = arith.constant 0 : i32
      %dma_wait3A_58 = tpu.memref_slice %arg2[%dma_wait3A_56, %dma_wait3A_57] : memref<160000x128xf32, #tpu.memory_space<hbm>> -> memref<80x128xf32, #tpu.memory_space<hbm>>
      tpu.wait_dma2 semaphore(%arg14 : memref<!tpu.dma_semaphore, #tpu.memory_space<semaphore_mem>>) src(%dma_wait3A_58 : memref<80x128xf32, #tpu.memory_space<hbm>>) dst(%arg10 : memref<80x128xf32, #tpu.memory_space<vmem>>)
      %dma_wait3A_59 = arith.constant 0 : i32
      %dma_wait3A_60 = tpu.memref_slice %arg4[%dma_wait3A_59] : memref<320000xi32, #tpu.memory_space<hbm>> -> memref<80xi32, #tpu.memory_space<hbm>>
      %dma_wait3A_61 = arith.constant 0 : i32
      %dma_wait3A_62 = tpu.memref_slice %arg4[%dma_wait3A_61] : memref<320000xi32, #tpu.memory_space<hbm>> -> memref<80xi32, #tpu.memory_space<hbm>>
      tpu.wait_dma2 semaphore(%arg16 : memref<!tpu.dma_semaphore, #tpu.memory_space<semaphore_mem>>) src(%dma_wait3A_62 : memref<80xi32, #tpu.memory_space<hbm>>) dst(%arg12 : memref<80xi32, #tpu.memory_space<vmem>>)
      "tpu.region"() ({
        %run_scoped3A = tpu.sem_alloc : memref<!tpu.dma_semaphore, #tpu.memory_space<semaphore_mem>>
        %dma_start3A_63 = arith.constant 0 : i32
        %dma_start3A_64 = arith.constant 0 : i32
        %dma_start3A_65 = tpu.memref_slice %arg9[%dma_start3A_63, %dma_start3A_64] : memref<10000x128xf32, #tpu.memory_space<vmem_shared>> -> memref<10000x128xf32, #tpu.memory_space<vmem_shared>>
        tpu.enqueue_indirect_dma source(%arg10 : memref<80x128xf32, #tpu.memory_space<vmem>>) target(%dma_start3A_65 : memref<10000x128xf32, #tpu.memory_space<vmem_shared>>) offsets(%arg12 : memref<80xi32, #tpu.memory_space<vmem>>) semaphore(%run_scoped3A : memref<!tpu.dma_semaphore, #tpu.memory_space<semaphore_mem>>) {add = true}
        %dma_wait3A_66 = arith.constant 0 : i32
        %dma_wait3A_67 = arith.constant 0 : i32
        %dma_wait3A_68 = tpu.memref_slice %arg9[%dma_wait3A_66, %dma_wait3A_67] : memref<10000x128xf32, #tpu.memory_space<vmem_shared>> -> memref<10000x128xf32, #tpu.memory_space<vmem_shared>>
        tpu.wait_indirect_dma semaphore(%run_scoped3A : memref<!tpu.dma_semaphore, #tpu.memory_space<semaphore_mem>>) src(%arg10 : memref<80x128xf32, #tpu.memory_space<vmem>>) dst(%dma_wait3A_68 : memref<10000x128xf32, #tpu.memory_space<vmem_shared>>)
        tpu.yield
      }) : () -> ()
    } else {
    }
    %eq3A_15 = arith.constant 1 : i32
    %eq3A_16 = arith.cmpi eq, %arg0, %eq3A_15 : i32
    %convert_element_type3A_17 = arith.extui %eq3A_16 : i1 to i32
    %cond3A_18 = arith.constant 0 : i32
    %cond3A_19 = arith.cmpi ne, %convert_element_type3A_17, %cond3A_18 : i32
    scf.if %cond3A_19 {
      %add3A = arith.constant 0 : i32
      %add3A_31 = arith.addi %mul3A_9, %add3A : i32
      %dma_start3A = arith.constant 0 : i32
      %dma_start3A_32 = tpu.memref_slice %arg3[%add3A_31, %dma_start3A] : memref<160000x128xf32, #tpu.memory_space<hbm>> -> memref<80x128xf32, #tpu.memory_space<hbm>>
      %dma_start3A_33 = arith.constant 0 : i32
      %dma_start3A_34 = tpu.memref_slice %arg3[%add3A_31, %dma_start3A_33] : memref<160000x128xf32, #tpu.memory_space<hbm>> -> memref<80x128xf32, #tpu.memory_space<hbm>>
      tpu.enqueue_dma source(%dma_start3A_34 : memref<80x128xf32, #tpu.memory_space<hbm>>) target(%arg10 : memref<80x128xf32, #tpu.memory_space<vmem>>) target_semaphore(%arg14 : memref<!tpu.dma_semaphore, #tpu.memory_space<semaphore_mem>>)
      %add3A_35 = arith.constant 160000 : i32
      %add3A_36 = arith.addi %add3A_35, %add3A_31 : i32
      %dma_start3A_37 = tpu.memref_slice %arg4[%add3A_36] : memref<320000xi32, #tpu.memory_space<hbm>> -> memref<80xi32, #tpu.memory_space<hbm>>
      %dma_start3A_38 = tpu.memref_slice %arg4[%add3A_36] : memref<320000xi32, #tpu.memory_space<hbm>> -> memref<80xi32, #tpu.memory_space<hbm>>
      tpu.enqueue_dma source(%dma_start3A_38 : memref<80xi32, #tpu.memory_space<hbm>>) target(%arg12 : memref<80xi32, #tpu.memory_space<vmem>>) target_semaphore(%arg16 : memref<!tpu.dma_semaphore, #tpu.memory_space<semaphore_mem>>)
      %add3A_39 = arith.constant 80 : i32
      %add3A_40 = arith.addi %mul3A_9, %add3A_39 : i32
      %dma_start3A_41 = arith.constant 0 : i32
      %dma_start3A_42 = tpu.memref_slice %arg3[%add3A_40, %dma_start3A_41] : memref<160000x128xf32, #tpu.memory_space<hbm>> -> memref<80x128xf32, #tpu.memory_space<hbm>>
      %dma_start3A_43 = arith.constant 0 : i32
      %dma_start3A_44 = tpu.memref_slice %arg3[%add3A_40, %dma_start3A_43] : memref<160000x128xf32, #tpu.memory_space<hbm>> -> memref<80x128xf32, #tpu.memory_space<hbm>>
      tpu.enqueue_dma source(%dma_start3A_44 : memref<80x128xf32, #tpu.memory_space<hbm>>) target(%arg11 : memref<80x128xf32, #tpu.memory_space<vmem>>) target_semaphore(%arg15 : memref<!tpu.dma_semaphore, #tpu.memory_space<semaphore_mem>>)
      %add3A_45 = arith.constant 160000 : i32
      %add3A_46 = arith.addi %add3A_45, %add3A_40 : i32
      %dma_start3A_47 = tpu.memref_slice %arg4[%add3A_46] : memref<320000xi32, #tpu.memory_space<hbm>> -> memref<80xi32, #tpu.memory_space<hbm>>
      %dma_start3A_48 = tpu.memref_slice %arg4[%add3A_46] : memref<320000xi32, #tpu.memory_space<hbm>> -> memref<80xi32, #tpu.memory_space<hbm>>
      tpu.enqueue_dma source(%dma_start3A_48 : memref<80xi32, #tpu.memory_space<hbm>>) target(%arg13 : memref<80xi32, #tpu.memory_space<vmem>>) target_semaphore(%arg17 : memref<!tpu.dma_semaphore, #tpu.memory_space<semaphore_mem>>)
      %scan3A = arith.constant 0 : i32
      %scan3A_49 = arith.constant 0 : i32
      %scan3A_50 = arith.constant 62 : i32
      %scan3A_51 = arith.addi %scan3A_49, %scan3A_50 : i32
      %scan3A_52 = arith.constant 1 : i32
      scf.for %scan3A_63 = %scan3A_49 to %scan3A_51 step %scan3A_52  : i32 {
        %mul3A_64 = arith.constant 2 : i32
        %mul3A_65 = arith.muli %mul3A_64, %scan3A_63 : i32
        %dma_wait3A_66 = arith.constant 0 : i32
        %dma_wait3A_67 = arith.constant 0 : i32
        %dma_wait3A_68 = tpu.memref_slice %arg3[%dma_wait3A_66, %dma_wait3A_67] : memref<160000x128xf32, #tpu.memory_space<hbm>> -> memref<80x128xf32, #tpu.memory_space<hbm>>
        %dma_wait3A_69 = arith.constant 0 : i32
        %dma_wait3A_70 = arith.constant 0 : i32
        %dma_wait3A_71 = tpu.memref_slice %arg3[%dma_wait3A_69, %dma_wait3A_70] : memref<160000x128xf32, #tpu.memory_space<hbm>> -> memref<80x128xf32, #tpu.memory_space<hbm>>
        tpu.wait_dma2 semaphore(%arg14 : memref<!tpu.dma_semaphore, #tpu.memory_space<semaphore_mem>>) src(%dma_wait3A_71 : memref<80x128xf32, #tpu.memory_space<hbm>>) dst(%arg10 : memref<80x128xf32, #tpu.memory_space<vmem>>)
        %dma_wait3A_72 = arith.constant 0 : i32
        %dma_wait3A_73 = tpu.memref_slice %arg4[%dma_wait3A_72] : memref<320000xi32, #tpu.memory_space<hbm>> -> memref<80xi32, #tpu.memory_space<hbm>>
        %dma_wait3A_74 = arith.constant 0 : i32
        %dma_wait3A_75 = tpu.memref_slice %arg4[%dma_wait3A_74] : memref<320000xi32, #tpu.memory_space<hbm>> -> memref<80xi32, #tpu.memory_space<hbm>>
        tpu.wait_dma2 semaphore(%arg16 : memref<!tpu.dma_semaphore, #tpu.memory_space<semaphore_mem>>) src(%dma_wait3A_75 : memref<80xi32, #tpu.memory_space<hbm>>) dst(%arg12 : memref<80xi32, #tpu.memory_space<vmem>>)
        "tpu.region"() ({
          %run_scoped3A = tpu.sem_alloc : memref<!tpu.dma_semaphore, #tpu.memory_space<semaphore_mem>>
          %dma_start3A_99 = arith.constant 0 : i32
          %dma_start3A_100 = arith.constant 0 : i32
          %dma_start3A_101 = tpu.memref_slice %arg9[%dma_start3A_99, %dma_start3A_100] : memref<10000x128xf32, #tpu.memory_space<vmem_shared>> -> memref<10000x128xf32, #tpu.memory_space<vmem_shared>>
          tpu.enqueue_indirect_dma source(%arg10 : memref<80x128xf32, #tpu.memory_space<vmem>>) target(%dma_start3A_101 : memref<10000x128xf32, #tpu.memory_space<vmem_shared>>) offsets(%arg12 : memref<80xi32, #tpu.memory_space<vmem>>) semaphore(%run_scoped3A : memref<!tpu.dma_semaphore, #tpu.memory_space<semaphore_mem>>) {add = true}
          %dma_wait3A_102 = arith.constant 0 : i32
          %dma_wait3A_103 = arith.constant 0 : i32
          %dma_wait3A_104 = tpu.memref_slice %arg9[%dma_wait3A_102, %dma_wait3A_103] : memref<10000x128xf32, #tpu.memory_space<vmem_shared>> -> memref<10000x128xf32, #tpu.memory_space<vmem_shared>>
          tpu.wait_indirect_dma semaphore(%run_scoped3A : memref<!tpu.dma_semaphore, #tpu.memory_space<semaphore_mem>>) src(%arg10 : memref<80x128xf32, #tpu.memory_space<vmem>>) dst(%dma_wait3A_104 : memref<10000x128xf32, #tpu.memory_space<vmem_shared>>)
          tpu.yield
        }) : () -> ()
        %add3A_76 = arith.constant 2 : i32
        %add3A_77 = arith.addi %mul3A_65, %add3A_76 : i32
        %lt3A = arith.constant 125 : i32
        %lt3A_78 = arith.cmpi slt, %add3A_77, %lt3A : i32
        %convert_element_type3A_79 = arith.extui %lt3A_78 : i1 to i32
        %cond3A_80 = arith.constant 0 : i32
        %cond3A_81 = arith.cmpi ne, %convert_element_type3A_79, %cond3A_80 : i32
        scf.if %cond3A_81 {
          %add3A_99 = arith.constant 2 : i32
          %add3A_100 = arith.addi %mul3A_65, %add3A_99 : i32
          %mul3A_101 = arith.constant 80 : i32
          %mul3A_102 = arith.muli %add3A_100, %mul3A_101 : i32
          %add3A_103 = arith.addi %mul3A_9, %mul3A_102 : i32
          %dma_start3A_104 = arith.constant 0 : i32
          %dma_start3A_105 = tpu.memref_slice %arg3[%add3A_103, %dma_start3A_104] : memref<160000x128xf32, #tpu.memory_space<hbm>> -> memref<80x128xf32, #tpu.memory_space<hbm>>
          %dma_start3A_106 = arith.constant 0 : i32
          %dma_start3A_107 = tpu.memref_slice %arg3[%add3A_103, %dma_start3A_106] : memref<160000x128xf32, #tpu.memory_space<hbm>> -> memref<80x128xf32, #tpu.memory_space<hbm>>
          tpu.enqueue_dma source(%dma_start3A_107 : memref<80x128xf32, #tpu.memory_space<hbm>>) target(%arg10 : memref<80x128xf32, #tpu.memory_space<vmem>>) target_semaphore(%arg14 : memref<!tpu.dma_semaphore, #tpu.memory_space<semaphore_mem>>)
          %add3A_108 = arith.constant 160000 : i32
          %add3A_109 = arith.addi %add3A_108, %add3A_103 : i32
          %dma_start3A_110 = tpu.memref_slice %arg4[%add3A_109] : memref<320000xi32, #tpu.memory_space<hbm>> -> memref<80xi32, #tpu.memory_space<hbm>>
          %dma_start3A_111 = tpu.memref_slice %arg4[%add3A_109] : memref<320000xi32, #tpu.memory_space<hbm>> -> memref<80xi32, #tpu.memory_space<hbm>>
          tpu.enqueue_dma source(%dma_start3A_111 : memref<80xi32, #tpu.memory_space<hbm>>) target(%arg12 : memref<80xi32, #tpu.memory_space<vmem>>) target_semaphore(%arg16 : memref<!tpu.dma_semaphore, #tpu.memory_space<semaphore_mem>>)
        } else {
        }
        %dma_wait3A_82 = arith.constant 0 : i32
        %dma_wait3A_83 = arith.constant 0 : i32
        %dma_wait3A_84 = tpu.memref_slice %arg3[%dma_wait3A_82, %dma_wait3A_83] : memref<160000x128xf32, #tpu.memory_space<hbm>> -> memref<80x128xf32, #tpu.memory_space<hbm>>
        %dma_wait3A_85 = arith.constant 0 : i32
        %dma_wait3A_86 = arith.constant 0 : i32
        %dma_wait3A_87 = tpu.memref_slice %arg3[%dma_wait3A_85, %dma_wait3A_86] : memref<160000x128xf32, #tpu.memory_space<hbm>> -> memref<80x128xf32, #tpu.memory_space<hbm>>
        tpu.wait_dma2 semaphore(%arg15 : memref<!tpu.dma_semaphore, #tpu.memory_space<semaphore_mem>>) src(%dma_wait3A_87 : memref<80x128xf32, #tpu.memory_space<hbm>>) dst(%arg11 : memref<80x128xf32, #tpu.memory_space<vmem>>)
        %dma_wait3A_88 = arith.constant 0 : i32
        %dma_wait3A_89 = tpu.memref_slice %arg4[%dma_wait3A_88] : memref<320000xi32, #tpu.memory_space<hbm>> -> memref<80xi32, #tpu.memory_space<hbm>>
        %dma_wait3A_90 = arith.constant 0 : i32
        %dma_wait3A_91 = tpu.memref_slice %arg4[%dma_wait3A_90] : memref<320000xi32, #tpu.memory_space<hbm>> -> memref<80xi32, #tpu.memory_space<hbm>>
        tpu.wait_dma2 semaphore(%arg17 : memref<!tpu.dma_semaphore, #tpu.memory_space<semaphore_mem>>) src(%dma_wait3A_91 : memref<80xi32, #tpu.memory_space<hbm>>) dst(%arg13 : memref<80xi32, #tpu.memory_space<vmem>>)
        "tpu.region"() ({
          %run_scoped3A = tpu.sem_alloc : memref<!tpu.dma_semaphore, #tpu.memory_space<semaphore_mem>>
          %dma_start3A_99 = arith.constant 0 : i32
          %dma_start3A_100 = arith.constant 0 : i32
          %dma_start3A_101 = tpu.memref_slice %arg9[%dma_start3A_99, %dma_start3A_100] : memref<10000x128xf32, #tpu.memory_space<vmem_shared>> -> memref<10000x128xf32, #tpu.memory_space<vmem_shared>>
          tpu.enqueue_indirect_dma source(%arg11 : memref<80x128xf32, #tpu.memory_space<vmem>>) target(%dma_start3A_101 : memref<10000x128xf32, #tpu.memory_space<vmem_shared>>) offsets(%arg13 : memref<80xi32, #tpu.memory_space<vmem>>) semaphore(%run_scoped3A : memref<!tpu.dma_semaphore, #tpu.memory_space<semaphore_mem>>) {add = true}
          %dma_wait3A_102 = arith.constant 0 : i32
          %dma_wait3A_103 = arith.constant 0 : i32
          %dma_wait3A_104 = tpu.memref_slice %arg9[%dma_wait3A_102, %dma_wait3A_103] : memref<10000x128xf32, #tpu.memory_space<vmem_shared>> -> memref<10000x128xf32, #tpu.memory_space<vmem_shared>>
          tpu.wait_indirect_dma semaphore(%run_scoped3A : memref<!tpu.dma_semaphore, #tpu.memory_space<semaphore_mem>>) src(%arg11 : memref<80x128xf32, #tpu.memory_space<vmem>>) dst(%dma_wait3A_104 : memref<10000x128xf32, #tpu.memory_space<vmem_shared>>)
          tpu.yield
        }) : () -> ()
        %add3A_92 = arith.constant 3 : i32
        %add3A_93 = arith.addi %mul3A_65, %add3A_92 : i32
        %lt3A_94 = arith.constant 125 : i32
        %lt3A_95 = arith.cmpi slt, %add3A_93, %lt3A_94 : i32
        %convert_element_type3A_96 = arith.extui %lt3A_95 : i1 to i32
        %cond3A_97 = arith.constant 0 : i32
        %cond3A_98 = arith.cmpi ne, %convert_element_type3A_96, %cond3A_97 : i32
        scf.if %cond3A_98 {
          %add3A_99 = arith.constant 3 : i32
          %add3A_100 = arith.addi %mul3A_65, %add3A_99 : i32
          %mul3A_101 = arith.constant 80 : i32
          %mul3A_102 = arith.muli %add3A_100, %mul3A_101 : i32
          %add3A_103 = arith.addi %mul3A_9, %mul3A_102 : i32
          %dma_start3A_104 = arith.constant 0 : i32
          %dma_start3A_105 = tpu.memref_slice %arg3[%add3A_103, %dma_start3A_104] : memref<160000x128xf32, #tpu.memory_space<hbm>> -> memref<80x128xf32, #tpu.memory_space<hbm>>
          %dma_start3A_106 = arith.constant 0 : i32
          %dma_start3A_107 = tpu.memref_slice %arg3[%add3A_103, %dma_start3A_106] : memref<160000x128xf32, #tpu.memory_space<hbm>> -> memref<80x128xf32, #tpu.memory_space<hbm>>
          tpu.enqueue_dma source(%dma_start3A_107 : memref<80x128xf32, #tpu.memory_space<hbm>>) target(%arg11 : memref<80x128xf32, #tpu.memory_space<vmem>>) target_semaphore(%arg15 : memref<!tpu.dma_semaphore, #tpu.memory_space<semaphore_mem>>)
          %add3A_108 = arith.constant 160000 : i32
          %add3A_109 = arith.addi %add3A_108, %add3A_103 : i32
          %dma_start3A_110 = tpu.memref_slice %arg4[%add3A_109] : memref<320000xi32, #tpu.memory_space<hbm>> -> memref<80xi32, #tpu.memory_space<hbm>>
          %dma_start3A_111 = tpu.memref_slice %arg4[%add3A_109] : memref<320000xi32, #tpu.memory_space<hbm>> -> memref<80xi32, #tpu.memory_space<hbm>>
          tpu.enqueue_dma source(%dma_start3A_111 : memref<80xi32, #tpu.memory_space<hbm>>) target(%arg13 : memref<80xi32, #tpu.memory_space<vmem>>) target_semaphore(%arg17 : memref<!tpu.dma_semaphore, #tpu.memory_space<semaphore_mem>>)
        } else {
        }
      }
      %scan3A_53 = arith.constant 62 : i32
      %dma_wait3A = arith.constant 0 : i32
      %dma_wait3A_54 = arith.constant 0 : i32
      %dma_wait3A_55 = tpu.memref_slice %arg3[%dma_wait3A, %dma_wait3A_54] : memref<160000x128xf32, #tpu.memory_space<hbm>> -> memref<80x128xf32, #tpu.memory_space<hbm>>
      %dma_wait3A_56 = arith.constant 0 : i32
      %dma_wait3A_57 = arith.constant 0 : i32
      %dma_wait3A_58 = tpu.memref_slice %arg3[%dma_wait3A_56, %dma_wait3A_57] : memref<160000x128xf32, #tpu.memory_space<hbm>> -> memref<80x128xf32, #tpu.memory_space<hbm>>
      tpu.wait_dma2 semaphore(%arg14 : memref<!tpu.dma_semaphore, #tpu.memory_space<semaphore_mem>>) src(%dma_wait3A_58 : memref<80x128xf32, #tpu.memory_space<hbm>>) dst(%arg10 : memref<80x128xf32, #tpu.memory_space<vmem>>)
      %dma_wait3A_59 = arith.constant 0 : i32
      %dma_wait3A_60 = tpu.memref_slice %arg4[%dma_wait3A_59] : memref<320000xi32, #tpu.memory_space<hbm>> -> memref<80xi32, #tpu.memory_space<hbm>>
      %dma_wait3A_61 = arith.constant 0 : i32
      %dma_wait3A_62 = tpu.memref_slice %arg4[%dma_wait3A_61] : memref<320000xi32, #tpu.memory_space<hbm>> -> memref<80xi32, #tpu.memory_space<hbm>>
      tpu.wait_dma2 semaphore(%arg16 : memref<!tpu.dma_semaphore, #tpu.memory_space<semaphore_mem>>) src(%dma_wait3A_62 : memref<80xi32, #tpu.memory_space<hbm>>) dst(%arg12 : memref<80xi32, #tpu.memory_space<vmem>>)
      "tpu.region"() ({
        %run_scoped3A = tpu.sem_alloc : memref<!tpu.dma_semaphore, #tpu.memory_space<semaphore_mem>>
        %dma_start3A_63 = arith.constant 0 : i32
        %dma_start3A_64 = arith.constant 0 : i32
        %dma_start3A_65 = tpu.memref_slice %arg9[%dma_start3A_63, %dma_start3A_64] : memref<10000x128xf32, #tpu.memory_space<vmem_shared>> -> memref<10000x128xf32, #tpu.memory_space<vmem_shared>>
        tpu.enqueue_indirect_dma source(%arg10 : memref<80x128xf32, #tpu.memory_space<vmem>>) target(%dma_start3A_65 : memref<10000x128xf32, #tpu.memory_space<vmem_shared>>) offsets(%arg12 : memref<80xi32, #tpu.memory_space<vmem>>) semaphore(%run_scoped3A : memref<!tpu.dma_semaphore, #tpu.memory_space<semaphore_mem>>) {add = true}
        %dma_wait3A_66 = arith.constant 0 : i32
        %dma_wait3A_67 = arith.constant 0 : i32
        %dma_wait3A_68 = tpu.memref_slice %arg9[%dma_wait3A_66, %dma_wait3A_67] : memref<10000x128xf32, #tpu.memory_space<vmem_shared>> -> memref<10000x128xf32, #tpu.memory_space<vmem_shared>>
        tpu.wait_indirect_dma semaphore(%run_scoped3A : memref<!tpu.dma_semaphore, #tpu.memory_space<semaphore_mem>>) src(%arg10 : memref<80x128xf32, #tpu.memory_space<vmem>>) dst(%dma_wait3A_68 : memref<10000x128xf32, #tpu.memory_space<vmem_shared>>)
        tpu.yield
      }) : () -> ()
    } else {
    }
    %barrier3A_20 = arith.constant 0 : index
    tpu.barrier barrier_id(%barrier3A_20)
    %eq3A_21 = arith.constant 0 : i32
    %eq3A_22 = arith.cmpi eq, %arg0, %eq3A_21 : i32
    %convert_element_type3A_23 = arith.extui %eq3A_22 : i1 to i32
    %cond3A_24 = arith.constant 0 : i32
    %cond3A_25 = arith.cmpi ne, %convert_element_type3A_23, %cond3A_24 : i32
    scf.if %cond3A_25 {
      "tpu.region"() ({
        %run_scoped3A = tpu.sem_alloc : memref<!tpu.dma_semaphore, #tpu.memory_space<semaphore_mem>>
        %dma_start3A = arith.constant 0 : i32
        %dma_start3A_36 = tpu.memref_slice %arg7[%mul3A_0, %dma_start3A] : memref<10000x128xf32, #tpu.memory_space<hbm>> -> memref<624x128xf32, #tpu.memory_space<hbm>>
        %dma_start3A_37 = arith.constant 0 : i32
        %dma_start3A_38 = tpu.memref_slice %arg9[%mul3A_0, %dma_start3A_37] : memref<10000x128xf32, #tpu.memory_space<vmem_shared>> -> memref<624x128xf32, #tpu.memory_space<vmem_shared>>
        tpu.enqueue_dma source(%dma_start3A_38 : memref<624x128xf32, #tpu.memory_space<vmem_shared>>) target(%dma_start3A_36 : memref<624x128xf32, #tpu.memory_space<hbm>>) target_semaphore(%run_scoped3A : memref<!tpu.dma_semaphore, #tpu.memory_space<semaphore_mem>>)
        %dma_wait3A = arith.constant 0 : i32
        %dma_wait3A_39 = tpu.memref_slice %arg7[%mul3A_0, %dma_wait3A] : memref<10000x128xf32, #tpu.memory_space<hbm>> -> memref<624x128xf32, #tpu.memory_space<hbm>>
        %dma_wait3A_40 = arith.constant 0 : i32
        %dma_wait3A_41 = tpu.memref_slice %arg9[%mul3A_0, %dma_wait3A_40] : memref<10000x128xf32, #tpu.memory_space<vmem_shared>> -> memref<624x128xf32, #tpu.memory_space<vmem_shared>>
        tpu.wait_dma2 semaphore(%run_scoped3A : memref<!tpu.dma_semaphore, #tpu.memory_space<semaphore_mem>>) src(%dma_wait3A_41 : memref<624x128xf32, #tpu.memory_space<vmem_shared>>) dst(%dma_wait3A_39 : memref<624x128xf32, #tpu.memory_space<hbm>>)
        tpu.yield
      }) : () -> ()
      %eq3A_31 = arith.constant 15 : i32
      %eq3A_32 = arith.cmpi eq, %arg1, %eq3A_31 : i32
      %convert_element_type3A_33 = arith.extui %eq3A_32 : i1 to i32
      %cond3A_34 = arith.constant 0 : i32
      %cond3A_35 = arith.cmpi ne, %convert_element_type3A_33, %cond3A_34 : i32
      scf.if %cond3A_35 {
        "tpu.region"() ({
          %run_scoped3A = tpu.sem_alloc : memref<!tpu.dma_semaphore, #tpu.memory_space<semaphore_mem>>
          %dma_start3A = arith.constant 9984 : i32
          %dma_start3A_36 = arith.constant 0 : i32
          %dma_start3A_37 = tpu.memref_slice %arg7[%dma_start3A, %dma_start3A_36] : memref<10000x128xf32, #tpu.memory_space<hbm>> -> memref<16x128xf32, #tpu.memory_space<hbm>>
          %dma_start3A_38 = arith.constant 9984 : i32
          %dma_start3A_39 = arith.constant 0 : i32
          %dma_start3A_40 = tpu.memref_slice %arg9[%dma_start3A_38, %dma_start3A_39] : memref<10000x128xf32, #tpu.memory_space<vmem_shared>> -> memref<16x128xf32, #tpu.memory_space<vmem_shared>>
          tpu.enqueue_dma source(%dma_start3A_40 : memref<16x128xf32, #tpu.memory_space<vmem_shared>>) target(%dma_start3A_37 : memref<16x128xf32, #tpu.memory_space<hbm>>) target_semaphore(%run_scoped3A : memref<!tpu.dma_semaphore, #tpu.memory_space<semaphore_mem>>)
          %dma_wait3A = arith.constant 9984 : i32
          %dma_wait3A_41 = arith.constant 0 : i32
          %dma_wait3A_42 = tpu.memref_slice %arg7[%dma_wait3A, %dma_wait3A_41] : memref<10000x128xf32, #tpu.memory_space<hbm>> -> memref<16x128xf32, #tpu.memory_space<hbm>>
          %dma_wait3A_43 = arith.constant 9984 : i32
          %dma_wait3A_44 = arith.constant 0 : i32
          %dma_wait3A_45 = tpu.memref_slice %arg9[%dma_wait3A_43, %dma_wait3A_44] : memref<10000x128xf32, #tpu.memory_space<vmem_shared>> -> memref<16x128xf32, #tpu.memory_space<vmem_shared>>
          tpu.wait_dma2 semaphore(%run_scoped3A : memref<!tpu.dma_semaphore, #tpu.memory_space<semaphore_mem>>) src(%dma_wait3A_45 : memref<16x128xf32, #tpu.memory_space<vmem_shared>>) dst(%dma_wait3A_42 : memref<16x128xf32, #tpu.memory_space<hbm>>)
          tpu.yield
        }) : () -> ()
      } else {
      }
    } else {
    }
    %eq3A_26 = arith.constant 1 : i32
    %eq3A_27 = arith.cmpi eq, %arg0, %eq3A_26 : i32
    %convert_element_type3A_28 = arith.extui %eq3A_27 : i1 to i32
    %cond3A_29 = arith.constant 0 : i32
    %cond3A_30 = arith.cmpi ne, %convert_element_type3A_28, %cond3A_29 : i32
    scf.if %cond3A_30 {
      "tpu.region"() ({
        %run_scoped3A = tpu.sem_alloc : memref<!tpu.dma_semaphore, #tpu.memory_space<semaphore_mem>>
        %dma_start3A = arith.constant 0 : i32
        %dma_start3A_36 = tpu.memref_slice %arg8[%mul3A_0, %dma_start3A] : memref<10000x128xf32, #tpu.memory_space<hbm>> -> memref<624x128xf32, #tpu.memory_space<hbm>>
        %dma_start3A_37 = arith.constant 0 : i32
        %dma_start3A_38 = tpu.memref_slice %arg9[%mul3A_0, %dma_start3A_37] : memref<10000x128xf32, #tpu.memory_space<vmem_shared>> -> memref<624x128xf32, #tpu.memory_space<vmem_shared>>
        tpu.enqueue_dma source(%dma_start3A_38 : memref<624x128xf32, #tpu.memory_space<vmem_shared>>) target(%dma_start3A_36 : memref<624x128xf32, #tpu.memory_space<hbm>>) target_semaphore(%run_scoped3A : memref<!tpu.dma_semaphore, #tpu.memory_space<semaphore_mem>>)
        %dma_wait3A = arith.constant 0 : i32
        %dma_wait3A_39 = tpu.memref_slice %arg8[%mul3A_0, %dma_wait3A] : memref<10000x128xf32, #tpu.memory_space<hbm>> -> memref<624x128xf32, #tpu.memory_space<hbm>>
        %dma_wait3A_40 = arith.constant 0 : i32
        %dma_wait3A_41 = tpu.memref_slice %arg9[%mul3A_0, %dma_wait3A_40] : memref<10000x128xf32, #tpu.memory_space<vmem_shared>> -> memref<624x128xf32, #tpu.memory_space<vmem_shared>>
        tpu.wait_dma2 semaphore(%run_scoped3A : memref<!tpu.dma_semaphore, #tpu.memory_space<semaphore_mem>>) src(%dma_wait3A_41 : memref<624x128xf32, #tpu.memory_space<vmem_shared>>) dst(%dma_wait3A_39 : memref<624x128xf32, #tpu.memory_space<hbm>>)
        tpu.yield
      }) : () -> ()
      %eq3A_31 = arith.constant 15 : i32
      %eq3A_32 = arith.cmpi eq, %arg1, %eq3A_31 : i32
      %convert_element_type3A_33 = arith.extui %eq3A_32 : i1 to i32
      %cond3A_34 = arith.constant 0 : i32
      %cond3A_35 = arith.cmpi ne, %convert_element_type3A_33, %cond3A_34 : i32
      scf.if %cond3A_35 {
        "tpu.region"() ({
          %run_scoped3A = tpu.sem_alloc : memref<!tpu.dma_semaphore, #tpu.memory_space<semaphore_mem>>
          %dma_start3A = arith.constant 9984 : i32
          %dma_start3A_36 = arith.constant 0 : i32
          %dma_start3A_37 = tpu.memref_slice %arg8[%dma_start3A, %dma_start3A_36] : memref<10000x128xf32, #tpu.memory_space<hbm>> -> memref<16x128xf32, #tpu.memory_space<hbm>>
          %dma_start3A_38 = arith.constant 9984 : i32
          %dma_start3A_39 = arith.constant 0 : i32
          %dma_start3A_40 = tpu.memref_slice %arg9[%dma_start3A_38, %dma_start3A_39] : memref<10000x128xf32, #tpu.memory_space<vmem_shared>> -> memref<16x128xf32, #tpu.memory_space<vmem_shared>>
          tpu.enqueue_dma source(%dma_start3A_40 : memref<16x128xf32, #tpu.memory_space<vmem_shared>>) target(%dma_start3A_37 : memref<16x128xf32, #tpu.memory_space<hbm>>) target_semaphore(%run_scoped3A : memref<!tpu.dma_semaphore, #tpu.memory_space<semaphore_mem>>)
          %dma_wait3A = arith.constant 9984 : i32
          %dma_wait3A_41 = arith.constant 0 : i32
          %dma_wait3A_42 = tpu.memref_slice %arg8[%dma_wait3A, %dma_wait3A_41] : memref<10000x128xf32, #tpu.memory_space<hbm>> -> memref<16x128xf32, #tpu.memory_space<hbm>>
          %dma_wait3A_43 = arith.constant 9984 : i32
          %dma_wait3A_44 = arith.constant 0 : i32
          %dma_wait3A_45 = tpu.memref_slice %arg9[%dma_wait3A_43, %dma_wait3A_44] : memref<10000x128xf32, #tpu.memory_space<vmem_shared>> -> memref<16x128xf32, #tpu.memory_space<vmem_shared>>
          tpu.wait_dma2 semaphore(%run_scoped3A : memref<!tpu.dma_semaphore, #tpu.memory_space<semaphore_mem>>) src(%dma_wait3A_45 : memref<16x128xf32, #tpu.memory_space<vmem_shared>>) dst(%dma_wait3A_42 : memref<16x128xf32, #tpu.memory_space<hbm>>)
          tpu.yield
        }) : () -> ()
      } else {
      }
    } else {
    }
    return
  }
}

module attributes {stable_mosaic.version = 14 : i64} {
  func.func @_edge_body(%arg0: i32, %arg1: memref<4000x128xf32, #tpu.memory_space<vmem>>, %arg2: memref<4000x128xf32, #tpu.memory_space<vmem>>, %arg3: memref<4000x128xf32, #tpu.memory_space<vmem>>, %arg4: memref<128x4xf32, #tpu.memory_space<vmem>>, %arg5: memref<4x128xf32, #tpu.memory_space<vmem>>, %arg6: memref<4000x128xf32, #tpu.memory_space<vmem>>, %arg7: memref<4000x128xf32, #tpu.memory_space<vmem>>) attributes {dimension_semantics = [#tpu.dimension_semantics<arbitrary>], iteration_bounds = array<i64: 40>, scalar_prefetch = 0 : i64, scratch_operands = 0 : i64, tpu.core_type = #tpu.core_type<tc>, window_params = [{transform_indices = @transform_0, window_bounds = array<i64: 4000, 128>}, {transform_indices = @transform_1, window_bounds = array<i64: 4000, 128>}, {transform_indices = @transform_2, window_bounds = array<i64: 4000, 128>}, {pipeline_mode = #tpu.pipeline_mode<synchronous>, transform_indices = @transform_3, window_bounds = array<i64: 128, 4>}, {pipeline_mode = #tpu.pipeline_mode<synchronous>, transform_indices = @transform_4, window_bounds = array<i64: 4, 128>}, {transform_indices = @transform_5, window_bounds = array<i64: 4000, 128>}, {transform_indices = @transform_6, window_bounds = array<i64: 4000, 128>}]} {
    %get3A = arith.constant 0 : index
    %get3A_0 = arith.constant 0 : index
    %get3A_1 = vector.load %arg1[%get3A, %get3A_0] : memref<4000x128xf32, #tpu.memory_space<vmem>>, vector<4000x128xf32>
    %get3A_2 = arith.constant 0 : index
    %get3A_3 = arith.constant 0 : index
    %get3A_4 = vector.load %arg2[%get3A_2, %get3A_3] : memref<4000x128xf32, #tpu.memory_space<vmem>>, vector<4000x128xf32>
    %mul3A = arith.mulf %get3A_1, %get3A_4 : vector<4000x128xf32>
    %get3A_5 = arith.constant 0 : index
    %get3A_6 = arith.constant 0 : index
    %get3A_7 = vector.load %arg4[%get3A_5, %get3A_6] : memref<128x4xf32, #tpu.memory_space<vmem>>, vector<128x4xf32>
    %dot_general3A = arith.constant dense<0.000000e+00> : vector<4000x4xf32>
    %dot_general3A_8 = tpu.matmul %mul3A, %get3A_7, %dot_general3A {dimension_numbers = #tpu.dot_dimension_numbers<[1], [0], [0], [1], [0, 0, 1, 1], [], []>, precision = #tpu.contract_precision<fp32>, transpose_lhs_hint = false} : vector<4000x128xf32>, vector<128x4xf32>, vector<4000x4xf32> -> vector<4000x4xf32>
    %mul3A_9 = arith.constant 0.0883883461 : f32
    %mul3A_10 = vector.broadcast %mul3A_9 : f32 to vector<4000x4xf32>
    %mul3A_11 = arith.mulf %dot_general3A_8, %mul3A_10 : vector<4000x4xf32>
    %ge3A = arith.constant 0.000000e+00 : f32
    %ge3A_12 = vector.broadcast %ge3A : f32 to vector<4000x4xf32>
    %ge3A_13 = arith.cmpf oge, %mul3A_11, %ge3A_12 : vector<4000x4xf32>
    %mul3A_14 = arith.constant 2.000000e-01 : f32
    %mul3A_15 = vector.broadcast %mul3A_14 : f32 to vector<4000x4xf32>
    %mul3A_16 = arith.mulf %mul3A_15, %mul3A_11 : vector<4000x4xf32>
    %select_n3A = arith.select %ge3A_13, %mul3A_11, %mul3A_16 : vector<4000x4xi1>, vector<4000x4xf32>
    %min3A = arith.constant 7.000000e+01 : f32
    %min3A_17 = vector.broadcast %min3A : f32 to vector<4000x4xf32>
    %min3A_18 = arith.minimumf %select_n3A, %min3A_17 : vector<4000x4xf32>
    %exp3A = math.exp %min3A_18 : vector<4000x4xf32>
    %get3A_19 = arith.constant 0 : index
    %get3A_20 = arith.constant 0 : index
    %get3A_21 = vector.load %arg5[%get3A_19, %get3A_20] : memref<4x128xf32, #tpu.memory_space<vmem>>, vector<4x128xf32>
    %dot_general3A_22 = arith.constant dense<0.000000e+00> : vector<4000x128xf32>
    %dot_general3A_23 = tpu.matmul %exp3A, %get3A_21, %dot_general3A_22 {dimension_numbers = #tpu.dot_dimension_numbers<[1], [0], [0], [1], [0, 0, 1, 1], [], []>, transpose_lhs_hint = false} : vector<4000x4xf32>, vector<4x128xf32>, vector<4000x128xf32> -> vector<4000x128xf32>
    %swap3A = arith.constant 0 : index
    %swap3A_24 = arith.constant 0 : index
    %swap3A_25 = vector.load %arg7[%swap3A, %swap3A_24] : memref<4000x128xf32, #tpu.memory_space<vmem>>, vector<4000x128xf32>
    tpu.vector_store %arg7[%swap3A, %swap3A_24], %dot_general3A_23 {strides = array<i32>} : memref<4000x128xf32, #tpu.memory_space<vmem>>, vector<4000x128xf32>,
    %get3A_26 = arith.constant 0 : index
    %get3A_27 = arith.constant 0 : index
    %get3A_28 = vector.load %arg3[%get3A_26, %get3A_27] : memref<4000x128xf32, #tpu.memory_space<vmem>>, vector<4000x128xf32>
    %mul3A_29 = arith.mulf %get3A_28, %dot_general3A_23 : vector<4000x128xf32>
    %swap3A_30 = arith.constant 0 : index
    %swap3A_31 = arith.constant 0 : index
    %swap3A_32 = vector.load %arg6[%swap3A_30, %swap3A_31] : memref<4000x128xf32, #tpu.memory_space<vmem>>, vector<4000x128xf32>
    tpu.vector_store %arg6[%swap3A_30, %swap3A_31], %mul3A_29 {strides = array<i32>} : memref<4000x128xf32, #tpu.memory_space<vmem>>, vector<4000x128xf32>,
    return
  }
  func.func @transform_0(%arg0: i32) -> (i32, i32) {
    %add3A = arith.constant 0 : i32
    %add3A_0 = arith.addi %arg0, %add3A : i32
    %c0_i32 = arith.constant 0 : i32
    %c0_i32_1 = arith.constant 0 : i32
    return %add3A_0, %c0_i32 : i32, i32
  }
  func.func @transform_1(%arg0: i32) -> (i32, i32) {
    %add3A = arith.constant 0 : i32
    %add3A_0 = arith.addi %arg0, %add3A : i32
    %c0_i32 = arith.constant 0 : i32
    %c0_i32_1 = arith.constant 0 : i32
    return %add3A_0, %c0_i32 : i32, i32
  }
  func.func @transform_2(%arg0: i32) -> (i32, i32) {
    %add3A = arith.constant 0 : i32
    %add3A_0 = arith.addi %arg0, %add3A : i32
    %c0_i32 = arith.constant 0 : i32
    %c0_i32_1 = arith.constant 0 : i32
    return %add3A_0, %c0_i32 : i32, i32
  }
  func.func @transform_3(%arg0: i32) -> (i32, i32) {
    %c0_i32 = arith.constant 0 : i32
    %c0_i32_0 = arith.constant 0 : i32
    %c0_i32_1 = arith.constant 0 : i32
    return %c0_i32, %c0_i32_0 : i32, i32
  }
  func.func @transform_4(%arg0: i32) -> (i32, i32) {
    %c0_i32 = arith.constant 0 : i32
    %c0_i32_0 = arith.constant 0 : i32
    %c0_i32_1 = arith.constant 0 : i32
    return %c0_i32, %c0_i32_0 : i32, i32
  }
  func.func @transform_5(%arg0: i32) -> (i32, i32) {
    %c0_i32 = arith.constant 0 : i32
    %c0_i32_0 = arith.constant 0 : i32
    return %arg0, %c0_i32 : i32, i32
  }
  func.func @transform_6(%arg0: i32) -> (i32, i32) {
    %c0_i32 = arith.constant 0 : i32
    %c0_i32_0 = arith.constant 0 : i32
    return %arg0, %c0_i32 : i32, i32
  }
}

module attributes {stable_mosaic.version = 14 : i64} {
  func.func @_edge_body(%arg0: i32, %arg1: memref<4000x128xf32, #tpu.memory_space<vmem>>, %arg2: memref<4000x128xf32, #tpu.memory_space<vmem>>, %arg3: memref<4000x128xf32, #tpu.memory_space<vmem>>, %arg4: memref<128x4xf32, #tpu.memory_space<vmem>>, %arg5: memref<4x128xf32, #tpu.memory_space<vmem>>, %arg6: memref<4000x128xf32, #tpu.memory_space<vmem>>, %arg7: memref<4000x128xf32, #tpu.memory_space<vmem>>) attributes {dimension_semantics = [#tpu.dimension_semantics<arbitrary>], iteration_bounds = array<i64: 40>, scalar_prefetch = 0 : i64, scratch_operands = 0 : i64, tpu.core_type = #tpu.core_type<tc>, window_params = [{transform_indices = @transform_0, window_bounds = array<i64: 4000, 128>}, {transform_indices = @transform_1, window_bounds = array<i64: 4000, 128>}, {transform_indices = @transform_2, window_bounds = array<i64: 4000, 128>}, {pipeline_mode = #tpu.pipeline_mode<synchronous>, transform_indices = @transform_3, window_bounds = array<i64: 128, 4>}, {pipeline_mode = #tpu.pipeline_mode<synchronous>, transform_indices = @transform_4, window_bounds = array<i64: 4, 128>}, {transform_indices = @transform_5, window_bounds = array<i64: 4000, 128>}, {transform_indices = @transform_6, window_bounds = array<i64: 4000, 128>}]} {
    %get3A = arith.constant 0 : index
    %get3A_0 = arith.constant 0 : index
    %get3A_1 = vector.load %arg1[%get3A, %get3A_0] : memref<4000x128xf32, #tpu.memory_space<vmem>>, vector<4000x128xf32>
    %get3A_2 = arith.constant 0 : index
    %get3A_3 = arith.constant 0 : index
    %get3A_4 = vector.load %arg2[%get3A_2, %get3A_3] : memref<4000x128xf32, #tpu.memory_space<vmem>>, vector<4000x128xf32>
    %mul3A = arith.mulf %get3A_1, %get3A_4 : vector<4000x128xf32>
    %get3A_5 = arith.constant 0 : index
    %get3A_6 = arith.constant 0 : index
    %get3A_7 = vector.load %arg4[%get3A_5, %get3A_6] : memref<128x4xf32, #tpu.memory_space<vmem>>, vector<128x4xf32>
    %dot_general3A = arith.constant dense<0.000000e+00> : vector<4000x4xf32>
    %dot_general3A_8 = tpu.matmul %mul3A, %get3A_7, %dot_general3A {dimension_numbers = #tpu.dot_dimension_numbers<[1], [0], [0], [1], [0, 0, 1, 1], [], []>, precision = #tpu.contract_precision<fp32>, transpose_lhs_hint = false} : vector<4000x128xf32>, vector<128x4xf32>, vector<4000x4xf32> -> vector<4000x4xf32>
    %mul3A_9 = arith.constant 0.0883883461 : f32
    %mul3A_10 = vector.broadcast %mul3A_9 : f32 to vector<4000x4xf32>
    %mul3A_11 = arith.mulf %dot_general3A_8, %mul3A_10 : vector<4000x4xf32>
    %ge3A = arith.constant 0.000000e+00 : f32
    %ge3A_12 = vector.broadcast %ge3A : f32 to vector<4000x4xf32>
    %ge3A_13 = arith.cmpf oge, %mul3A_11, %ge3A_12 : vector<4000x4xf32>
    %mul3A_14 = arith.constant 2.000000e-01 : f32
    %mul3A_15 = vector.broadcast %mul3A_14 : f32 to vector<4000x4xf32>
    %mul3A_16 = arith.mulf %mul3A_15, %mul3A_11 : vector<4000x4xf32>
    %select_n3A = arith.select %ge3A_13, %mul3A_11, %mul3A_16 : vector<4000x4xi1>, vector<4000x4xf32>
    %min3A = arith.constant 7.000000e+01 : f32
    %min3A_17 = vector.broadcast %min3A : f32 to vector<4000x4xf32>
    %min3A_18 = arith.minimumf %select_n3A, %min3A_17 : vector<4000x4xf32>
    %exp3A = math.exp %min3A_18 : vector<4000x4xf32>
    %get3A_19 = arith.constant 0 : index
    %get3A_20 = arith.constant 0 : index
    %get3A_21 = vector.load %arg5[%get3A_19, %get3A_20] : memref<4x128xf32, #tpu.memory_space<vmem>>, vector<4x128xf32>
    %dot_general3A_22 = arith.constant dense<0.000000e+00> : vector<4000x128xf32>
    %dot_general3A_23 = tpu.matmul %exp3A, %get3A_21, %dot_general3A_22 {dimension_numbers = #tpu.dot_dimension_numbers<[1], [0], [0], [1], [0, 0, 1, 1], [], []>, transpose_lhs_hint = false} : vector<4000x4xf32>, vector<4x128xf32>, vector<4000x128xf32> -> vector<4000x128xf32>
    %swap3A = arith.constant 0 : index
    %swap3A_24 = arith.constant 0 : index
    %swap3A_25 = vector.load %arg7[%swap3A, %swap3A_24] : memref<4000x128xf32, #tpu.memory_space<vmem>>, vector<4000x128xf32>
    tpu.vector_store %arg7[%swap3A, %swap3A_24], %dot_general3A_23 {strides = array<i32>} : memref<4000x128xf32, #tpu.memory_space<vmem>>, vector<4000x128xf32>,
    %get3A_26 = arith.constant 0 : index
    %get3A_27 = arith.constant 0 : index
    %get3A_28 = vector.load %arg3[%get3A_26, %get3A_27] : memref<4000x128xf32, #tpu.memory_space<vmem>>, vector<4000x128xf32>
    %mul3A_29 = arith.mulf %get3A_28, %dot_general3A_23 : vector<4000x128xf32>
    %swap3A_30 = arith.constant 0 : index
    %swap3A_31 = arith.constant 0 : index
    %swap3A_32 = vector.load %arg6[%swap3A_30, %swap3A_31] : memref<4000x128xf32, #tpu.memory_space<vmem>>, vector<4000x128xf32>
    tpu.vector_store %arg6[%swap3A_30, %swap3A_31], %mul3A_29 {strides = array<i32>} : memref<4000x128xf32, #tpu.memory_space<vmem>>, vector<4000x128xf32>,
    return
  }
  func.func @transform_0(%arg0: i32) -> (i32, i32) {
    %add3A = arith.constant 40 : i32
    %add3A_0 = arith.addi %arg0, %add3A : i32
    %c0_i32 = arith.constant 0 : i32
    %c0_i32_1 = arith.constant 0 : i32
    return %add3A_0, %c0_i32 : i32, i32
  }
  func.func @transform_1(%arg0: i32) -> (i32, i32) {
    %add3A = arith.constant 40 : i32
    %add3A_0 = arith.addi %arg0, %add3A : i32
    %c0_i32 = arith.constant 0 : i32
    %c0_i32_1 = arith.constant 0 : i32
    return %add3A_0, %c0_i32 : i32, i32
  }
  func.func @transform_2(%arg0: i32) -> (i32, i32) {
    %add3A = arith.constant 40 : i32
    %add3A_0 = arith.addi %arg0, %add3A : i32
    %c0_i32 = arith.constant 0 : i32
    %c0_i32_1 = arith.constant 0 : i32
    return %add3A_0, %c0_i32 : i32, i32
  }
  func.func @transform_3(%arg0: i32) -> (i32, i32) {
    %c0_i32 = arith.constant 0 : i32
    %c0_i32_0 = arith.constant 0 : i32
    %c0_i32_1 = arith.constant 0 : i32
    return %c0_i32, %c0_i32_0 : i32, i32
  }
  func.func @transform_4(%arg0: i32) -> (i32, i32) {
    %c0_i32 = arith.constant 0 : i32
    %c0_i32_0 = arith.constant 0 : i32
    %c0_i32_1 = arith.constant 0 : i32
    return %c0_i32, %c0_i32_0 : i32, i32
  }
  func.func @transform_5(%arg0: i32) -> (i32, i32) {
    %c0_i32 = arith.constant 0 : i32
    %c0_i32_0 = arith.constant 0 : i32
    return %arg0, %c0_i32 : i32, i32
  }
  func.func @transform_6(%arg0: i32) -> (i32, i32) {
    %c0_i32 = arith.constant 0 : i32
    %c0_i32_0 = arith.constant 0 : i32
    return %arg0, %c0_i32 : i32, i32
  }
}

module attributes {stable_mosaic.version = 14 : i64} {
  func.func @_divide_body(%arg0: i32, %arg1: memref<2000x128xf32, #tpu.memory_space<vmem>>, %arg2: memref<2000x128xf32, #tpu.memory_space<vmem>>, %arg3: memref<2000x128xf32, #tpu.memory_space<vmem>>) attributes {dimension_semantics = [#tpu.dimension_semantics<arbitrary>], iteration_bounds = array<i64: 5>, scalar_prefetch = 0 : i64, scratch_operands = 0 : i64, tpu.core_type = #tpu.core_type<tc>, window_params = [{transform_indices = @transform_0, window_bounds = array<i64: 2000, 128>}, {transform_indices = @transform_1, window_bounds = array<i64: 2000, 128>}, {transform_indices = @transform_2, window_bounds = array<i64: 2000, 128>}]} {
    %get3A = arith.constant 0 : index
    %get3A_0 = arith.constant 0 : index
    %get3A_1 = vector.load %arg2[%get3A, %get3A_0] : memref<2000x128xf32, #tpu.memory_space<vmem>>, vector<2000x128xf32>
    %gt3A = arith.constant 0.000000e+00 : f32
    %gt3A_2 = vector.broadcast %gt3A : f32 to vector<2000x128xf32>
    %gt3A_3 = arith.cmpf ogt, %get3A_1, %gt3A_2 : vector<2000x128xf32>
    %get3A_4 = arith.constant 0 : index
    %get3A_5 = arith.constant 0 : index
    %get3A_6 = vector.load %arg1[%get3A_4, %get3A_5] : memref<2000x128xf32, #tpu.memory_space<vmem>>, vector<2000x128xf32>
    %div3A = arith.divf %get3A_6, %get3A_1 : vector<2000x128xf32>
    %jit3A = arith.constant 0.000000e+00 : f32
    %broadcast_in_dim3A = vector.broadcast %jit3A : f32 to vector<2000x128xf32>
    %select_n3A = arith.select %gt3A_3, %div3A, %broadcast_in_dim3A : vector<2000x128xi1>, vector<2000x128xf32>
    %swap3A = arith.constant 0 : index
    %swap3A_7 = arith.constant 0 : index
    %swap3A_8 = vector.load %arg3[%swap3A, %swap3A_7] : memref<2000x128xf32, #tpu.memory_space<vmem>>, vector<2000x128xf32>
    tpu.vector_store %arg3[%swap3A, %swap3A_7], %select_n3A {strides = array<i32>} : memref<2000x128xf32, #tpu.memory_space<vmem>>, vector<2000x128xf32>,
    return
  }
  func.func @transform_0(%arg0: i32) -> (i32, i32) {
    %c0_i32 = arith.constant 0 : i32
    %c0_i32_0 = arith.constant 0 : i32
    return %arg0, %c0_i32 : i32, i32
  }
  func.func @transform_1(%arg0: i32) -> (i32, i32) {
    %c0_i32 = arith.constant 0 : i32
    %c0_i32_0 = arith.constant 0 : i32
    return %arg0, %c0_i32 : i32, i32
  }
  func.func @transform_2(%arg0: i32) -> (i32, i32) {
    %c0_i32 = arith.constant 0 : i32
    %c0_i32_0 = arith.constant 0 : i32
    return %arg0, %c0_i32 : i32, i32
  }
}

</mosaic_0001>

<sc_bundles>
// kernel: kernel.10.cloned.1.call-start
scs
__scs_entry_jumppad:
0x0: {  	(pc) =	sbr.rel $0x88, $3  }
0x1: {  	(tag) =	ssettag $0x0;
	lr =	simm.s32 $0x1  }
0x2: {  	[smem:$0x3F9D] =	sst lr;
	_ =	strace $0xD0000000  }
0x3: {  	_ = 	snop  }
0x4: {  	_ = 	snop  }
0x5: {  	_ = 	snop  }
0x6: {  	_ = 	snop  }
0x7: {  	_ = 	snop  }
__scs_overlays_trampoline_lowered:
0x8: {  	[smem:$0x3FAC] =	sst s0  }
0x9: {  	[smem:$0x3FAD] =	sst s1  }
0xa: {  	[smem:$0x3FAE] =	sst s2  }
0xb: {  	[smem:$0x3FAF] =	sst s3  }
0xc: {  	[smem:$0x3FB0] =	sst s4  }
0xd: {  	[smem:$0x3FB1] =	sst s5  }
0xe: {  	[smem:$0x3FB2] =	sst s6  }
0xf: {  	[smem:$0x3FB3] =	sst s7  }
0x10: {  	[smem:$0x3FB4] =	sst s8  }
0x11: {  	[smem:$0x3FB5] =	sst s9;
	s0 =	simm.s32 @!p0 $0x0  }
0x12: {  	s1 =	sld [smem:$0x3F9B];
	s0 =	simm.s32 @p0 $0x1  }
0x13: {  	[smem:$0x3FB6] =	sst s0;
	s0 =	simm.s32 @!p1 $0x0  }
0x14: {  	s2 =	sld [smem:$0x3F9A];
	s0 =	simm.s32 @p1 $0x1  }
0x15: {  	[smem:$0x3FB7] =	sst s0;
	s0 =	simm.s32 @!p2 $0x0  }
0x16: {  	s3 =	sld [smem:$0x3FDB];
	s0 =	simm.s32 @p2 $0x1  }
0x17: {  	s4 =	simm.s32 $0x1BF5;
	[smem:$0x3FB9] =	sst s0  }
0x18: {  	s0 =	sld [smem:$0x3F9C];
	_ =	swait.ge [sflag:s4], $0x0  }
0x19: {  	s7 =	sld [smem:$0x3F9D]  }
0x1a: {  	s8 =	sadd.s32 $0xFFFFE003, lr  }
0x1b: {  	s9 =	sadd.s32 $0xFFFFFEF7, lr;
	s5 =	simm.s32 $0xFFFFFFFF;
	p2 =	slt.u32 s8, $0xFFFFF086  }
0x1c: {  	p1 =	slt.u32 s9, $0xF7A;
	s5 =	simm.s32 @!p2 $0x0  }
0x1d: {  	s5 =	simm.s32 @p1 $0x1;
	p0 =	seq.s32 s7, s2  }
0x1e: {  	s7 =	smul.u32 @!p0 $0xF7A, s2;
	p2 =	seq.s32 @!p0 s5, $0x0  }
0x1f: {  	s9 =	smul.u32 $0xF7A, s1;
	s8 =	simm.s32 @!p0 $0x1BF5;
	p2 =	por !p2, p0  }
0x20: {  	[sflag:s8] =	ssyncset.s32 @!p0 $0xFFFFF086;
	s6 =	sadd.s32 @!p0 s3, s7;
	s7 =	simm.s32 @!p0 $0x108  }
0x21: {  	s3 =	sadd.s32 s3, s9;
	s6 =	sadd.s32 @!p0 $0x88, s6;
	s7 =	simm.s32 @p2 $0x1082  }
0x22: {  	[simem:s7], [sflag:s8] =	dma.local @!p0 [hbm:s6], $0xF7A  }
0x23: {  	s9 =	sor.u32 $0xD0000000, s2;
	s6 =	simm.s32 $0x108;
	_ =	swait.ge @!p0 [sflag:s8], $0x0  }
0x24: {  	s3 =	sadd.s32 $0x88, s3;
	s6 =	simm.s32 @!p1 $0x1082;
	[sflag:s4] =	ssyncset.s32 $0xFFFFF086  }
0x25: {  	[simem:s6], [sflag:s4] =	dma.local [hbm:s3], $0xF7A  }
0x26: {  	[smem:$0x3F9D] =	sst s1;
	(tag) =	ssettag s2;
	_ =	strace s9  }
0x27: {  	s1 =	sld [smem:$0x3FAD]  }
0x28: {  	s2 =	sld [smem:$0x3FAE]  }
0x29: {  	s4 =	sld [smem:$0x3FB0]  }
0x2a: {  	p0 =	seq.s32 s5, $0x0;
	s5 =	sld [smem:$0x3FB1]  }
0x2b: {  	s6 =	sld [smem:$0x3FB2]  }
0x2c: {  	s7 =	sld [smem:$0x3FB3]  }
0x2d: {  	s3 =	simm.s32 $0x108;
	s8 =	sld [smem:$0x3FB4]  }
0x2e: {  	s3 =	simm.s32 @!p0 $0x1082;
	s9 =	sld [smem:$0x3FB5]  }
0x2f: {  	lr =	sadd.s32 s0, s3;
	s0 =	sld [smem:$0x3FAC]  }
0x30: {  	s3 =	sld [smem:$0x3FAF]  }
0x31: {  	[smem:$0x3FB8] =	sst s10  }
0x32: {  	s10 =	sld [smem:$0x3FB6];
	_ =	sdelay $0x3  }
0x33: {  	p0 =	seq.s32 s10, $0x1;
	s10 =	sld [smem:$0x3FB8];
	_ =	sdelay $0x3  }
0x34: {  	[smem:$0x3FB8] =	sst s10  }
0x35: {  	s10 =	sld [smem:$0x3FB7];
	_ =	sdelay $0x3  }
0x36: {  	p1 =	seq.s32 s10, $0x1;
	s10 =	sld [smem:$0x3FB8];
	_ =	sdelay $0x3  }
0x37: {  	[smem:$0x3FB8] =	sst s10  }
0x38: {  	s10 =	sld [smem:$0x3FB9]  }
0x39: {  	_ = 	snop;
	(pc) =	sbr.ind lr, $3  }
0x3a: {  	_ = 	snop  }
0x3b: {  	_ = 	snop  }
0x3c: {  	p2 =	seq.s32 s10, $0x1;
	s10 =	sld [smem:$0x3FB8]  }
0x3d: {  	_ =	shalt  }
0x3e: {  	_ =	shalt  }
0x3f: {  	_ =	shalt  }
0x40: {  	_ =	shalt  }
0x41: {  	_ =	shalt  }
0x42: {  	_ =	shalt  }
0x43: {  	_ =	shalt  }
0x44: {  	_ =	shalt  }
0x45: {  	_ =	shalt  }
0x46: {  	_ =	shalt  }
0x47: {  	_ =	shalt  }
0x48: {  	_ =	shalt  }
0x49: {  	_ =	shalt  }
0x4a: {  	_ =	shalt  }
0x4b: {  	_ =	shalt  }
0x4c: {  	_ =	shalt  }
0x4d: {  	_ =	shalt  }
0x4e: {  	_ =	shalt  }
0x4f: {  	_ =	shalt  }
0x50: {  	_ =	shalt  }
0x51: {  	_ =	shalt  }
0x52: {  	_ =	shalt  }
0x53: {  	_ =	shalt  }
0x54: {  	_ =	shalt  }
0x55: {  	_ =	shalt  }
0x56: {  	_ =	shalt  }
0x57: {  	_ =	shalt  }
0x58: {  	_ =	shalt  }
0x59: {  	_ =	shalt  }
0x5a: {  	_ =	shalt  }
0x5b: {  	_ =	shalt  }
0x5c: {  	_ =	shalt  }
0x5d: {  	_ =	shalt  }
0x5e: {  	_ =	shalt  }
0x5f: {  	_ =	shalt  }
0x60: {  	_ =	shalt  }
0x61: {  	_ =	shalt  }
0x62: {  	_ =	shalt  }
0x63: {  	_ =	shalt  }
0x64: {  	_ =	shalt  }
0x65: {  	_ =	shalt  }
0x66: {  	_ =	shalt  }
0x67: {  	_ =	shalt  }
0x68: {  	_ =	shalt  }
0x69: {  	_ =	shalt  }
0x6a: {  	_ =	shalt  }
0x6b: {  	_ =	shalt  }
0x6c: {  	_ =	shalt  }
0x6d: {  	_ =	shalt  }
0x6e: {  	_ =	shalt  }
0x6f: {  	_ =	shalt  }
0x70: {  	_ =	shalt  }
0x71: {  	_ =	shalt  }
0x72: {  	_ =	shalt  }
0x73: {  	_ =	shalt  }
0x74: {  	_ =	shalt  }
0x75: {  	_ =	shalt  }
0x76: {  	_ =	shalt  }
0x77: {  	_ =	shalt  }
0x78: {  	_ =	shalt  }
0x79: {  	_ =	shalt  }
0x7a: {  	_ =	shalt  }
0x7b: {  	_ =	shalt  }
0x7c: {  	_ =	shalt  }
0x7d: {  	_ =	shalt  }
0x7e: {  	_ =	shalt  }
0x7f: {  	_ =	shalt  }
0x80: {  	_ =	shalt  }
0x81: {  	_ =	shalt  }
0x82: {  	_ =	shalt  }
0x83: {  	_ =	shalt  }
0x84: {  	_ =	shalt  }
0x85: {  	_ =	shalt  }
0x86: {  	_ =	shalt  }
0x87: {  	_ =	shalt  }
.Lfunc_end0:
.L_simem_size_0:
called_computation.1_lowered:
.L_overlay_start_0:
0x88: {  	s2 =	sld [smem:$0x3FD9]  }
0x89: {  	s3 =	sld [smem:$0x3FFE];
	_ =	sdelay $0x1  }
0x8a: {  	s1 =	srdreg.scid  }
0x8b: {  	s0 =	sand.u32 $0x1, s1  }
0x8c: {  	s17 =	sshll.u32 s0, $0xA;
	s2 =	sadd.s32 s3, s2  }
0x8d: {  	s2 =	sadd.s32 s2, s17  }
0x8e: {  	[smem:$0x3FC4] =	sst s2  }
0x8f: {  	_ = 	snop  }
0x90: {  	s2 =	sld [smem:$0x3FD0];
	(tm) =	ssettm $0x1  }
0x91: {  	s18 =	sld [smem:$0x3FFB];
	_ =	sdelay $0x3  }
0x92: {  	_ =	strace s18  }
0x93: {  	s3 =	sld [smem:$0x3FFC];
	_ =	sdelay $0x3  }
0x94: {  	_ =	strace s3  }
0x95: {  	s3 =	sld [smem:$0x3FFD];
	_ =	sdelay $0x3  }
0x96: {  	_ =	strace s3  }
0x97: {  	_ =	strace $0x8FFFFFFF  }
0x98: {  	s19 =	sld [smem:$0x3FDB];
	_ =	sdelay $0x1  }
0x99: {  	s4 =	simm.s32 $_scs_section_size  }
0x9a: {  	s5 =	simm.s32 $_size__tile_overlayer_lowered;
	s6 =	simm.s32 $_tile_overlayer_lowered  }
0x9b: {  	s22 =	simm.s32 $0x1BFF;
	s21 =	sshll.u32 s6, $0x1;
	s3 =	sadd.s32 s4, s19  }
0x9c: {  	s7 =	simm.s32 $0x0;
	s20 =	sshll.u32 s5, $0x1;
	s5 =	sadd.s32 s21, s3  }
0x9d: {  	[timem:s7], [sflag:s22] =	dma.local [hbm:s5], s20  }
0x9e: {  	_ =	swait.ge [sflag:s22], s20  }
0x9f: {  	s4 =	ssub.s32 $0x0, s20;
	[sflag:s22] =	ssyncset.done $0x0  }
0xa0: {  	[sflag:s22] =	ssyncadd.s32 s4;
	_ =	sdelay $0x1  }
0xa1: {  	s23 =	simm.s32 $0x1B8B  }
0xa2: {  	_ =	swait.ge [sflag:s23], $0x1  }
0xa3: {  	[sflag:s23] =	ssyncset.done $0x0  }
0xa4: {  	s25 =	simm.s32 $0x1B8E;
	s24 =	sld [smem:$0x3FFE];
	[sflag:s23] =	ssyncadd.s32 $0xFFFFFFFF  }
0xa5: {  	s26 =	simm.s32 $execute0_lowered;
	[smem:$0x3FD2] =	sst s25  }
0xa6: {  	s5 =	sshll.u32 s26, $0x1;
	_ =	strace $0x80000049;
	[dreg:$0x1] =	wrdreg $0xFFFFFFFF  }
0xa7: {  	s28 =	simm.s32 $_size_execute0_lowered;
	s3 =	sadd.s32 s3, s5;
	[dreg:$0x0] =	wrdreg $0x0  }
0xa8: {  	s5 =	sshll.u32 s28, $0x1;
	[dreg:$0x2] =	wrdreg s3  }
0xa9: {  	[dreg:$0x3] =	wrdreg s5  }
0xaa: {  	[dreg:$0x4] =	wrdreg $0xC0  }
0xab: {  	_ =	task [dreg:s7], $0x5FFFF  }
0xac: {  	[dreg:$0x1] =	wrdreg $0xFFFFFFFF  }
0xad: {  	[dreg:$0x0] =	wrdreg $0x60  }
0xae: {  	[dreg:$0x2] =	wrdreg s24  }
0xaf: {  	[dreg:$0x3] =	wrdreg s2  }
0xb0: {  	[dreg:$0x4] =	wrdreg $0x0  }
0xb1: {  	[dreg:$0x5] =	wrdreg $0x9  }
0xb2: {  	_ =	task.clear_ibuf [dreg:s7], $0x6FFFF;
	_ =	strace $0x90000049  }
0xb3: {  	s29 =	simm.s32 $0x9;
	_ =	strace $0x8000004B  }
0xb4: {  	_ =	swait.ge [sflag:s29], $0x1  }
0xb5: {  	[sflag:s29] =	ssyncadd.s32 $0xFFFFFFFF  }
0xb6: {  	_ =	strace $0x9000004B  }
0xb7: {  	_ =	sfence  }
0xb8: {  	s30 =	sld [smem:$0x0];
	_ =	sdelay $0x2  }
0xb9: {  	s31 =	sshll.u32 s1, $0xD;
	s1 =	sshrl.u32 s1, $0x2  }
0xba: {  	s3 =	sand.u32 $0x4000, s31;
	s1 =	sadd.s32 s1, s30  }
0xbb: {  	s0 =	sor.u32 s3, s0;
	s1 =	sshll.u32 s1, $0x11  }
0xbc: {  	s0 =	sor.u32 s1, s0  }
0xbd: {  	s0 =	sadd.s32 $0x8F2B, s0  }
0xbe: {  	[sflag:s0] =	ssyncadd.remote.s32 $0x1  }
0xbf: {  	_ =	sfence.sel $0xFFFF  }
0xc0: {  	[dreg:$0x0] =	wrdreg $0xFFFFFFFF;
	(pc) =	sbr.abs _section_cstart, $3  }
0xc1: {  	[dreg:$0x1] =	wrdreg $0xFFFFFFFF  }
0xc2: {  	_ =	task.clear_ibuf [dreg:s7], $0x2FFFF;
	_ =	strace $0x9FFFFFFF  }
0xc3: {  	(tm) =	ssettm $0x7FFFFFFF  }
tec
execute0_lowered:
.L_overlay_start_1:
0x0: {  	(tag) =	ssettag $0x1  }
0x1: {  	s0 =	rddreg [dreg:$0x0]  }
0x2: {  	s20 =	rddreg [dreg:$0x1]  }
0x3: {  	s2 =	rddreg [dreg:$0x2]  }
0x4: {  	s4 =	simm.s32 $0x0;
	s3 =	stileid.u32;
	s5 =	srdreg.scid  }
0x5: {  	s28 =	simm.s32 $0x18880;
	s29 =	simm.s32 $0x16080;
	s9 =	smul.u32 $0x2700, s3  }
0x6: {  	s30 =	simm.s32 $0x18900;
	s31 =	simm.s32 $0x1;
	s8 =	smul.u32 $0x4E000, s3  }
0x7: {  	[smem:$0x7FF] =	sst s4;
	s1 =	sadd.s32 $0x53B600, s0;
	s19 =	smul.u32 $0x2710, s3  }
0x8: {  	s7 =	sadd.s32 $0x7AC600, s0;
	s5 =	sand.u32 $0x1, s5;
	s11 =	smul.u32 $0x138800, s3  }
0x9: {  	s12 =	sadd.s32 $0x1400, s0;
	s22 =	sadd.s32 $0xB200, s0;
	s13 =	smul.u32 $0x27100, s3  }
0xa: {  	s16 =	sadd.s32 $0x53B400, s0;
	p1 =	sne.s32 s3, $0xF;
	p2 =	seq.s32 s3, $0xF  }
0xb: {  	_ =	strace $0x8000004A;
	s6 =	ssub.s32 $0x2, s5;
	[dreg:$0x5] =	wrdreg s16  }
0xc: {  	p0 =	sne.s32 s5, $0x0;
	s14 =	sadd.s32 s9, s0;
	s10 =	sshrl.u32 s6, $0x1  }
0xd: {  	s18 =	sshrl.u32 s8, $0x2;
	s8 =	sadd.s32 $0x138000, s2;
	s17 =	sshrl.u32 s11, $0x3  }
0xe: {  	s26 =	sadd.s32 $0x26C00, s13;
	s24 =	sadd.s32 s22, s9;
	s0 =	sadd.s32 $0x514200, s0  }
0xf: {  	s15 =	ssub.s32 s6, s10;
	s6 =	sadd.s32 s18, s2;
	s21 =	sadd.s32 $0x514400, s14  }
0x10: {  	s10 =	sshrl.u32 s19, $0x3;
	s17 =	sadd.s32 $0x500, s17;
	[dreg:$0xa] =	wrdreg s24  }
0x11: {  	s19 =	smul.u32 $0x4E2, s3;
	s25 =	sadd.s32 $0x4ED200, s14;
	[dreg:$0xc] =	wrdreg s0  }
0x12: {  	s0 =	simm.s32 $0x3;
	[dreg:$0x4] =	wrdreg s21;
	s23 =	sadd.s32 s12, s10  }
0x13: {  	s10 =	sadd.s32 s7, s13;
	s18 =	sadd.s32 s7, s17;
	s13 =	sadd.s32 s1, s13  }
0x14: {  	s17 =	sadd.s32 s1, s17;
	s7 =	sadd.s32 s7, s26;
	[dreg:$0xb] =	wrdreg s25  }
0x15: {  	s1 =	sadd.s32 s1, s26;
	s21 =	smov.u32 s22;
	[dreg:$0x6] =	wrdreg s18  }
0x16: {  	s26 =	sadd.s32 s20, s9;
	s22 =	smax.u32 s15, $0x1;
	[dreg:$0x7] =	wrdreg s17  }
.Ltmp0:
0x17: {  	s25 =	simm.s32 $0x5;
	[dreg:$0x8] =	wrdreg s7;
	(pc) =	sbr.rel .LBB2_1-.Ltmp0, $4  }
0x18: {  	s9 =	simm.s32 $0x4;
	s11 =	sadd.s32 $0x4E20, s23;
	[dreg:$0x9] =	wrdreg s1  }
0x19: {  	s17 =	sadd.s32 $0x4E2A, s23;
	s19 =	sadd.s32 s19, s12;
	[dreg:$0xd] =	wrdreg s26  }
0x1a: {  	s23 =	sadd.s32 $0x52F8, s23;
	s26 =	simm.s32 $0x13880;
	s1 =	simm.s32 $0x50  }
0x1b: {  	s7 =	simm.s32 $0x2;
	s12 =	simm.s32 $0x0;
	s18 =	sadd.s32 $0x4E3E, s19  }
.LBB2_8:
0x1c: {  	s5 =	sadd.s32 $0x27000, s5;
	s15 =	sshrl.u32 s8, $0x3  }
0x1d: {  	[hbm:s5], [sflag:s14] =	dma.local [spmem:s15], $0x100  }
0x1e: {  	_ =	swait.ge [sflag:s25], $0x100  }
0x1f: {  	[sflag:s25] =	ssyncset.done $0x0  }
0x20: {  	[sflag:s25] =	ssyncadd.s32 $0xFFFFFF00  }
.LBB2_9:
0x21: {  	s12 =	sadd.s32 $0x1, s12  }
0x22: {  	p3 =	sne.s32 s12, s22  }
.Ltmp1:
0x23: {  	_ = 	snop;
	(pc) =	sbr.rel @!p3 .LBB2_10-.Ltmp1, $1  }
0x24: {  	_ =	sdelay $0x3  }
.LBB2_1:
.Ltmp2:
0x25: {  	(pc) =	sbr.rel @p0 .LBB2_5-.Ltmp2, $3  }
0x26: {  	_ =	sdelay $0x1  }
0x27: {  	s16 =	sshll.u32 s3, $0x6  }
0x28: {  	s15 =	sshrl.u32 s6, $0x3;
	s5 =	sshrl.u32 @!p1 s8, $0x3;
	s14 =	sor.u32 $0x1C05, s16  }
0x29: {  	s14 =	sor.u32 $0x1C05, s16;
	s19 =	rddreg [dreg:$0xb]  }
0x2a: {  	[spmem:s15], [sflag:s14] =	dma.local [hbm:s19], $0x2700  }
0x2b: {  	_ =	swait.ge [sflag:s25], $0x2700  }
0x2c: {  	[sflag:s25] =	ssyncset.done $0x0  }
0x2d: {  	s16 =	rddreg [dreg:$0xc];
	[sflag:s25] =	ssyncadd.s32 $0xFFFFD900  }
0x2e: {  	[spmem:s5], [sflag:s14] =	dma.local @!p1 [hbm:s16], $0x100  }
0x2f: {  	s5 =	simm.s32 @!p1 $0x5  }
0x30: {  	_ =	swait.ge @!p1 [sflag:s5], $0x100  }
0x31: {  	[sflag:s5] =	ssyncset.done @!p1 $0x0  }
0x32: {  	[sflag:s5] =	ssyncadd.s32 @!p1 $0xFFFFFF00  }
0x33: {  	s20 =	simm.s32 $0x0;
	[bflag:$0x0] =	sbarrier.arrive $0xFFFF  }
0x34: {  	[tilespmem:s26], [sflag:$0x1] =	stream.linear.gather [hbm4b:s13+s20], $0x2800, $0x38;
	[tilespmem:$0x18980] =	vst v63  }
0x35: {  	_ = 	snop  }
0x36: {  	[tilespmem:s28], [sflag:$0x3] =	stream.linear.gather [hbm4b:s11+s20], $0x50, $0x38;
	[tilespmem:$0x18980] =	vst v63  }
0x37: {  	s24 =	rddreg [dreg:$0x7]  }
0x38: {  	[tilespmem:s29], [sflag:$0x2] =	stream.linear.gather [hbm4b:s24+s20], $0x2800, $0x38;
	[tilespmem:$0x18980] =	vst v63  }
0x39: {  	_ = 	snop  }
0x3a: {  	[tilespmem:s30], [sflag:$0x4] =	stream.linear.gather [hbm4b:s17+s20], $0x50, $0x38;
	[tilespmem:$0x18980] =	vst v63  }
0x3b: {  	_ =	swait.ge [sflag:s31], $0x2800  }
0x3c: {  	[sflag:s31] =	ssyncset.done $0x0  }
0x3d: {  	[sflag:s31] =	ssyncadd.s32 $0xFFFFD800  }
0x3e: {  	_ =	swait.ge [sflag:s0], $0x50  }
0x3f: {  	[sflag:s0] =	ssyncset.done $0x0  }
0x40: {  	[sflag:s0] =	ssyncadd.s32 $0xFFFFFFB0  }
0x41: {  	[spmem:s2] =	stream.indirect.scatter.add.f32 [tilespmem:s26], [sflag:$0x5], $0x80, s28, s1, $0xb8;
	[tilespmem:$0x18980] =	vst v63  }
0x42: {  	_ =	swait.ge [sflag:s25], $0x2800  }
0x43: {  	s19 =	sadd.s32 $0x0, s13;
	[sflag:s25] =	ssyncset.done $0x0  }
0x44: {  	s20 =	sadd.s32 $0xA00, s19;
	[sflag:s25] =	ssyncadd.s32 $0xFFFFD800  }
0x45: {  	[tilespmem:s26], [sflag:$0x1] =	stream.linear.gather [hbm4b:s20+s4], $0x2800, $0x38;
	[tilespmem:$0x18980] =	vst v63  }
0x46: {  	s24 =	sadd.s32 $0xFFFFFFF6, s18  }
0x47: {  	[tilespmem:s28], [sflag:$0x3] =	stream.linear.gather [hbm4b:s24+s4], $0x50, $0x38;
	[tilespmem:$0x18980] =	vst v63  }
0x48: {  	_ =	swait.ge [sflag:s7], $0x2800  }
0x49: {  	[sflag:s7] =	ssyncset.done $0x0  }
0x4a: {  	[sflag:s7] =	ssyncadd.s32 $0xFFFFD800  }
0x4b: {  	_ =	swait.ge [sflag:s9], $0x50  }
0x4c: {  	[sflag:s9] =	ssyncset.done $0x0  }
0x4d: {  	[sflag:s9] =	ssyncadd.s32 $0xFFFFFFB0  }
0x4e: {  	[spmem:s2] =	stream.indirect.scatter.add.f32 [tilespmem:s29], [sflag:$0x5], $0x80, s30, s1, $0xb8;
	[tilespmem:$0x18980] =	vst v63  }
0x4f: {  	_ =	swait.ge [sflag:s25], $0x2800  }
0x50: {  	[sflag:s25] =	ssyncset.done $0x0  }
0x51: {  	s5 =	sadd.s32 $0xF00, s19;
	[sflag:s25] =	ssyncadd.s32 $0xFFFFD800  }
0x52: {  	[tilespmem:s29], [sflag:$0x2] =	stream.linear.gather [hbm4b:s5+s4], $0x2800, $0x38;
	[tilespmem:$0x18980] =	vst v63  }
0x53: {  	s16 =	simm.s32 $0xA00;
	s24 =	smov.u32 s18;
	s5 =	sadd.s32 $0x14, s18  }
.LBB2_3:
0x54: {  	[tilespmem:s30], [sflag:$0x4] =	stream.linear.gather [hbm4b:s24+s4], $0x50, $0x38;
	[tilespmem:$0x18980] =	vst v63  }
0x55: {  	s19 =	smov.u32 s16;
	s24 =	smov.u32 s5  }
0x56: {  	p3 =	sne.s32 s16, $0x25800;
	s16 =	sadd.s32 $0xA00, s16;
	_ =	swait.ge [sflag:s31], $0x2800  }
0x57: {  	[sflag:s31] =	ssyncset.done $0x0  }
0x58: {  	[sflag:s31] =	ssyncadd.s32 $0xFFFFD800  }
0x59: {  	_ =	swait.ge [sflag:s0], $0x50  }
0x5a: {  	[sflag:s0] =	ssyncset.done $0x0  }
0x5b: {  	[sflag:s0] =	ssyncadd.s32 $0xFFFFFFB0  }
0x5c: {  	[spmem:s2] =	stream.indirect.scatter.add.f32 [tilespmem:s26], [sflag:$0x5], $0x80, s28, s1, $0xb8;
	[tilespmem:$0x18980] =	vst v63  }
0x5d: {  	_ =	swait.ge [sflag:s25], $0x2800  }
0x5e: {  	s19 =	sadd.s32 s19, s13;
	[sflag:s25] =	ssyncset.done $0x0  }
0x5f: {  	s20 =	sadd.s32 $0xA00, s19;
	[sflag:s25] =	ssyncadd.s32 $0xFFFFD800  }
0x60: {  	[tilespmem:s26], [sflag:$0x1] =	stream.linear.gather [hbm4b:s20+s4], $0x2800, $0x38;
	[tilespmem:$0x18980] =	vst v63  }
0x61: {  	s20 =	sadd.s32 $0xFFFFFFF6, s5  }
0x62: {  	[tilespmem:s28], [sflag:$0x3] =	stream.linear.gather [hbm4b:s20+s4], $0x50, $0x38;
	[tilespmem:$0x18980] =	vst v63  }
0x63: {  	_ =	swait.ge [sflag:s7], $0x2800  }
0x64: {  	[sflag:s7] =	ssyncset.done $0x0  }
0x65: {  	[sflag:s7] =	ssyncadd.s32 $0xFFFFD800  }
0x66: {  	_ =	swait.ge [sflag:s9], $0x50  }
0x67: {  	[sflag:s9] =	ssyncset.done $0x0  }
0x68: {  	[sflag:s9] =	ssyncadd.s32 $0xFFFFFFB0  }
0x69: {  	[spmem:s2] =	stream.indirect.scatter.add.f32 [tilespmem:s29], [sflag:$0x5], $0x80, s30, s1, $0xb8;
	[tilespmem:$0x18980] =	vst v63  }
.Ltmp3:
0x6a: {  	_ =	swait.ge [sflag:s25], $0x2800;
	(pc) =	sbr.rel @p3 .LBB2_3-.Ltmp3, $4  }
0x6b: {  	[sflag:s25] =	ssyncset.done $0x0  }
0x6c: {  	s19 =	sadd.s32 $0xF00, s19;
	[sflag:s25] =	ssyncadd.s32 $0xFFFFD800  }
0x6d: {  	[tilespmem:s29], [sflag:$0x2] =	stream.linear.gather [hbm4b:s19+s4], $0x2800, $0x38;
	[tilespmem:$0x18980] =	vst v63  }
0x6e: {  	s5 =	sadd.s32 $0x14, s5  }
0x6f: {  	[tilespmem:s30], [sflag:$0x4] =	stream.linear.gather [hbm4b:s24+s4], $0x50, $0x38;
	[tilespmem:$0x18980] =	vst v63  }
0x70: {  	_ =	swait.ge [sflag:s31], $0x2800  }
0x71: {  	[sflag:s31] =	ssyncset.done $0x0  }
0x72: {  	[sflag:s31] =	ssyncadd.s32 $0xFFFFD800  }
0x73: {  	_ =	swait.ge [sflag:s0], $0x50  }
0x74: {  	[sflag:s0] =	ssyncset.done $0x0  }
0x75: {  	[sflag:s0] =	ssyncadd.s32 $0xFFFFFFB0  }
0x76: {  	[spmem:s2] =	stream.indirect.scatter.add.f32 [tilespmem:s26], [sflag:$0x5], $0x80, s28, s1, $0xb8;
	[tilespmem:$0x18980] =	vst v63  }
0x77: {  	_ =	swait.ge [sflag:s25], $0x2800  }
0x78: {  	[sflag:s25] =	ssyncset.done $0x0  }
0x79: {  	s5 =	rddreg [dreg:$0x9];
	[sflag:s25] =	ssyncadd.s32 $0xFFFFD800  }
0x7a: {  	[tilespmem:s26], [sflag:$0x1] =	stream.linear.gather [hbm4b:s5+s4], $0x2800, $0x38;
	[tilespmem:$0x18980] =	vst v63  }
0x7b: {  	_ = 	snop  }
0x7c: {  	[tilespmem:s28], [sflag:$0x3] =	stream.linear.gather [hbm4b:s23+s4], $0x50, $0x38;
	[tilespmem:$0x18980] =	vst v63  }
0x7d: {  	_ =	swait.ge [sflag:s7], $0x2800  }
0x7e: {  	[sflag:s7] =	ssyncset.done $0x0  }
0x7f: {  	[sflag:s7] =	ssyncadd.s32 $0xFFFFD800  }
0x80: {  	_ =	swait.ge [sflag:s9], $0x50  }
0x81: {  	[sflag:s9] =	ssyncset.done $0x0  }
0x82: {  	[sflag:s9] =	ssyncadd.s32 $0xFFFFFFB0  }
0x83: {  	[spmem:s2] =	stream.indirect.scatter.add.f32 [tilespmem:s29], [sflag:$0x5], $0x80, s30, s1, $0xb8;
	[tilespmem:$0x18980] =	vst v63  }
0x84: {  	_ =	swait.ge [sflag:s25], $0x2800  }
0x85: {  	[sflag:s25] =	ssyncset.done $0x0  }
0x86: {  	[sflag:s25] =	ssyncadd.s32 $0xFFFFD800  }
0x87: {  	_ =	swait.ge [sflag:s31], $0x2800  }
0x88: {  	[sflag:s31] =	ssyncset.done $0x0  }
0x89: {  	[sflag:s31] =	ssyncadd.s32 $0xFFFFD800  }
0x8a: {  	_ =	swait.ge [sflag:s0], $0x50  }
0x8b: {  	[sflag:s0] =	ssyncset.done $0x0  }
0x8c: {  	[sflag:s0] =	ssyncadd.s32 $0xFFFFFFB0  }
0x8d: {  	[spmem:s2] =	stream.indirect.scatter.add.f32 [tilespmem:s26], [sflag:$0x5], $0x80, s28, s1, $0xb8;
	[tilespmem:$0x18980] =	vst v63  }
0x8e: {  	_ =	swait.ge [sflag:s25], $0x2800  }
0x8f: {  	[sflag:s25] =	ssyncset.done $0x0  }
0x90: {  	[sflag:s25] =	ssyncadd.s32 $0xFFFFD800  }
0x91: {  	[bflag:$0x0] =	sbarrier.arrive $0xFFFF  }
0x92: {  	s24 =	rddreg [dreg:$0xd]  }
0x93: {  	[hbm:s24], [sflag:s14] =	dma.local [spmem:s15], $0x2700  }
.Ltmp4:
0x94: {  	_ = 	snop;
	(pc) =	sbr.rel @p2 .LBB2_8-.Ltmp4, $4  }
.Ltmp5:
0x95: {  	_ =	swait.ge [sflag:s25], $0x2700;
	(pc) =	sbr.rel @!p2 .LBB2_9-.Ltmp5, $4  }
0x96: {  	[sflag:s25] =	ssyncset.done $0x0  }
0x97: {  	[sflag:s25] =	ssyncadd.s32 $0xFFFFD900  }
0x98: {  	s5 =	rddreg [dreg:$0x1]  }
0x99: {  	_ = 	snop  }
.LBB2_5:
0x9a: {  	s16 =	rddreg [dreg:$0x4]  }
0x9b: {  	[spmem:s15], [sflag:s14] =	dma.local [hbm:s16], $0x2700  }
0x9c: {  	_ =	swait.ge [sflag:s25], $0x2700  }
0x9d: {  	[sflag:s25] =	ssyncset.done $0x0  }
0x9e: {  	s16 =	rddreg [dreg:$0x5];
	[sflag:s25] =	ssyncadd.s32 $0xFFFFD900  }
0x9f: {  	[spmem:s5], [sflag:s14] =	dma.local @!p1 [hbm:s16], $0x100  }
0xa0: {  	s5 =	simm.s32 @!p1 $0x5  }
0xa1: {  	_ =	swait.ge @!p1 [sflag:s5], $0x100  }
0xa2: {  	[sflag:s5] =	ssyncset.done @!p1 $0x0  }
0xa3: {  	[sflag:s5] =	ssyncadd.s32 @!p1 $0xFFFFFF00  }
0xa4: {  	s20 =	simm.s32 $0x0;
	[bflag:$0x0] =	sbarrier.arrive $0xFFFF  }
0xa5: {  	[tilespmem:s26], [sflag:$0x1] =	stream.linear.gather [hbm4b:s10+s20], $0x2800, $0x38;
	[tilespmem:$0x18980] =	vst v63  }
0xa6: {  	_ = 	snop  }
0xa7: {  	[tilespmem:s28], [sflag:$0x3] =	stream.linear.gather [hbm4b:s11+s20], $0x50, $0x38;
	[tilespmem:$0x18980] =	vst v63  }
0xa8: {  	s24 =	rddreg [dreg:$0x6]  }
0xa9: {  	[tilespmem:s29], [sflag:$0x2] =	stream.linear.gather [hbm4b:s24+s20], $0x2800, $0x38;
	[tilespmem:$0x18980] =	vst v63  }
0xaa: {  	_ = 	snop  }
0xab: {  	[tilespmem:s30], [sflag:$0x4] =	stream.linear.gather [hbm4b:s17+s20], $0x50, $0x38;
	[tilespmem:$0x18980] =	vst v63  }
0xac: {  	_ =	swait.ge [sflag:s31], $0x2800  }
0xad: {  	[sflag:s31] =	ssyncset.done $0x0  }
0xae: {  	[sflag:s31] =	ssyncadd.s32 $0xFFFFD800  }
0xaf: {  	_ =	swait.ge [sflag:s0], $0x50  }
0xb0: {  	[sflag:s0] =	ssyncset.done $0x0  }
0xb1: {  	[sflag:s0] =	ssyncadd.s32 $0xFFFFFFB0  }
0xb2: {  	[spmem:s2] =	stream.indirect.scatter.add.f32 [tilespmem:s26], [sflag:$0x5], $0x80, s28, s1, $0xb8;
	[tilespmem:$0x18980] =	vst v63  }
0xb3: {  	_ =	swait.ge [sflag:s25], $0x2800  }
0xb4: {  	s19 =	sadd.s32 $0x0, s10;
	[sflag:s25] =	ssyncset.done $0x0  }
0xb5: {  	s20 =	sadd.s32 $0xA00, s19;
	[sflag:s25] =	ssyncadd.s32 $0xFFFFD800  }
0xb6: {  	[tilespmem:s26], [sflag:$0x1] =	stream.linear.gather [hbm4b:s20+s4], $0x2800, $0x38;
	[tilespmem:$0x18980] =	vst v63  }
0xb7: {  	s24 =	sadd.s32 $0xFFFFFFF6, s18  }
0xb8: {  	[tilespmem:s28], [sflag:$0x3] =	stream.linear.gather [hbm4b:s24+s4], $0x50, $0x38;
	[tilespmem:$0x18980] =	vst v63  }
0xb9: {  	_ =	swait.ge [sflag:s7], $0x2800  }
0xba: {  	[sflag:s7] =	ssyncset.done $0x0  }
0xbb: {  	[sflag:s7] =	ssyncadd.s32 $0xFFFFD800  }
0xbc: {  	_ =	swait.ge [sflag:s9], $0x50  }
0xbd: {  	[sflag:s9] =	ssyncset.done $0x0  }
0xbe: {  	[sflag:s9] =	ssyncadd.s32 $0xFFFFFFB0  }
0xbf: {  	[spmem:s2] =	stream.indirect.scatter.add.f32 [tilespmem:s29], [sflag:$0x5], $0x80, s30, s1, $0xb8;
	[tilespmem:$0x18980] =	vst v63  }
0xc0: {  	_ =	swait.ge [sflag:s25], $0x2800  }
0xc1: {  	[sflag:s25] =	ssyncset.done $0x0  }
0xc2: {  	s5 =	sadd.s32 $0xF00, s19;
	[sflag:s25] =	ssyncadd.s32 $0xFFFFD800  }
0xc3: {  	[tilespmem:s29], [sflag:$0x2] =	stream.linear.gather [hbm4b:s5+s4], $0x2800, $0x38;
	[tilespmem:$0x18980] =	vst v63  }
0xc4: {  	s16 =	simm.s32 $0xA00;
	s24 =	smov.u32 s18;
	s5 =	sadd.s32 $0x14, s18  }
.LBB2_6:
0xc5: {  	[tilespmem:s30], [sflag:$0x4] =	stream.linear.gather [hbm4b:s24+s4], $0x50, $0x38;
	[tilespmem:$0x18980] =	vst v63  }
0xc6: {  	s19 =	smov.u32 s16;
	s24 =	smov.u32 s5  }
0xc7: {  	p3 =	sne.s32 s16, $0x25800;
	s16 =	sadd.s32 $0xA00, s16;
	_ =	swait.ge [sflag:s31], $0x2800  }
0xc8: {  	[sflag:s31] =	ssyncset.done $0x0  }
0xc9: {  	[sflag:s31] =	ssyncadd.s32 $0xFFFFD800  }
0xca: {  	_ =	swait.ge [sflag:s0], $0x50  }
0xcb: {  	[sflag:s0] =	ssyncset.done $0x0  }
0xcc: {  	[sflag:s0] =	ssyncadd.s32 $0xFFFFFFB0  }
0xcd: {  	[spmem:s2] =	stream.indirect.scatter.add.f32 [tilespmem:s26], [sflag:$0x5], $0x80, s28, s1, $0xb8;
	[tilespmem:$0x18980] =	vst v63  }
0xce: {  	_ =	swait.ge [sflag:s25], $0x2800  }
0xcf: {  	s19 =	sadd.s32 s19, s10;
	[sflag:s25] =	ssyncset.done $0x0  }
0xd0: {  	s20 =	sadd.s32 $0xA00, s19;
	[sflag:s25] =	ssyncadd.s32 $0xFFFFD800  }
0xd1: {  	[tilespmem:s26], [sflag:$0x1] =	stream.linear.gather [hbm4b:s20+s4], $0x2800, $0x38;
	[tilespmem:$0x18980] =	vst v63  }
0xd2: {  	s20 =	sadd.s32 $0xFFFFFFF6, s5  }
0xd3: {  	[tilespmem:s28], [sflag:$0x3] =	stream.linear.gather [hbm4b:s20+s4], $0x50, $0x38;
	[tilespmem:$0x18980] =	vst v63  }
0xd4: {  	_ =	swait.ge [sflag:s7], $0x2800  }
0xd5: {  	[sflag:s7] =	ssyncset.done $0x0  }
0xd6: {  	[sflag:s7] =	ssyncadd.s32 $0xFFFFD800  }
0xd7: {  	_ =	swait.ge [sflag:s9], $0x50  }
0xd8: {  	[sflag:s9] =	ssyncset.done $0x0  }
0xd9: {  	[sflag:s9] =	ssyncadd.s32 $0xFFFFFFB0  }
0xda: {  	[spmem:s2] =	stream.indirect.scatter.add.f32 [tilespmem:s29], [sflag:$0x5], $0x80, s30, s1, $0xb8;
	[tilespmem:$0x18980] =	vst v63  }
.Ltmp6:
0xdb: {  	_ =	swait.ge [sflag:s25], $0x2800;
	(pc) =	sbr.rel @p3 .LBB2_6-.Ltmp6, $4  }
0xdc: {  	[sflag:s25] =	ssyncset.done $0x0  }
0xdd: {  	s19 =	sadd.s32 $0xF00, s19;
	[sflag:s25] =	ssyncadd.s32 $0xFFFFD800  }
0xde: {  	[tilespmem:s29], [sflag:$0x2] =	stream.linear.gather [hbm4b:s19+s4], $0x2800, $0x38;
	[tilespmem:$0x18980] =	vst v63  }
0xdf: {  	s5 =	sadd.s32 $0x14, s5  }
0xe0: {  	[tilespmem:s30], [sflag:$0x4] =	stream.linear.gather [hbm4b:s24+s4], $0x50, $0x38;
	[tilespmem:$0x18980] =	vst v63  }
0xe1: {  	_ =	swait.ge [sflag:s31], $0x2800  }
0xe2: {  	[sflag:s31] =	ssyncset.done $0x0  }
0xe3: {  	[sflag:s31] =	ssyncadd.s32 $0xFFFFD800  }
0xe4: {  	_ =	swait.ge [sflag:s0], $0x50  }
0xe5: {  	[sflag:s0] =	ssyncset.done $0x0  }
0xe6: {  	[sflag:s0] =	ssyncadd.s32 $0xFFFFFFB0  }
0xe7: {  	[spmem:s2] =	stream.indirect.scatter.add.f32 [tilespmem:s26], [sflag:$0x5], $0x80, s28, s1, $0xb8;
	[tilespmem:$0x18980] =	vst v63  }
0xe8: {  	_ =	swait.ge [sflag:s25], $0x2800  }
0xe9: {  	[sflag:s25] =	ssyncset.done $0x0  }
0xea: {  	s5 =	rddreg [dreg:$0x8];
	[sflag:s25] =	ssyncadd.s32 $0xFFFFD800  }
0xeb: {  	[tilespmem:s26], [sflag:$0x1] =	stream.linear.gather [hbm4b:s5+s4], $0x2800, $0x38;
	[tilespmem:$0x18980] =	vst v63  }
0xec: {  	_ = 	snop  }
0xed: {  	[tilespmem:s28], [sflag:$0x3] =	stream.linear.gather [hbm4b:s23+s4], $0x50, $0x38;
	[tilespmem:$0x18980] =	vst v63  }
0xee: {  	_ =	swait.ge [sflag:s7], $0x2800  }
0xef: {  	[sflag:s7] =	ssyncset.done $0x0  }
0xf0: {  	[sflag:s7] =	ssyncadd.s32 $0xFFFFD800  }
0xf1: {  	_ =	swait.ge [sflag:s9], $0x50  }
0xf2: {  	[sflag:s9] =	ssyncset.done $0x0  }
0xf3: {  	[sflag:s9] =	ssyncadd.s32 $0xFFFFFFB0  }
0xf4: {  	[spmem:s2] =	stream.indirect.scatter.add.f32 [tilespmem:s29], [sflag:$0x5], $0x80, s30, s1, $0xb8;
	[tilespmem:$0x18980] =	vst v63  }
0xf5: {  	_ =	swait.ge [sflag:s25], $0x2800  }
0xf6: {  	[sflag:s25] =	ssyncset.done $0x0  }
0xf7: {  	[sflag:s25] =	ssyncadd.s32 $0xFFFFD800  }
0xf8: {  	_ =	swait.ge [sflag:s31], $0x2800  }
0xf9: {  	[sflag:s31] =	ssyncset.done $0x0  }
0xfa: {  	[sflag:s31] =	ssyncadd.s32 $0xFFFFD800  }
0xfb: {  	_ =	swait.ge [sflag:s0], $0x50  }
0xfc: {  	[sflag:s0] =	ssyncset.done $0x0  }
0xfd: {  	[sflag:s0] =	ssyncadd.s32 $0xFFFFFFB0  }
0xfe: {  	[spmem:s2] =	stream.indirect.scatter.add.f32 [tilespmem:s26], [sflag:$0x5], $0x80, s28, s1, $0xb8;
	[tilespmem:$0x18980] =	vst v63  }
0xff: {  	_ =	swait.ge [sflag:s25], $0x2800  }
0x100: {  	[sflag:s25] =	ssyncset.done $0x0  }
0x101: {  	[sflag:s25] =	ssyncadd.s32 $0xFFFFD800  }
0x102: {  	[bflag:$0x0] =	sbarrier.arrive $0xFFFF  }
0x103: {  	s24 =	rddreg [dreg:$0xa]  }
0x104: {  	[hbm:s24], [sflag:s14] =	dma.local [spmem:s15], $0x2700  }
.Ltmp7:
0x105: {  	_ = 	snop;
	(pc) =	sbr.rel @p1 .LBB2_9-.Ltmp7, $4  }
.Ltmp8:
0x106: {  	_ = 	snop;
	(pc) =	sbr.rel @!p1 .LBB2_8-.Ltmp8, $4  }
0x107: {  	_ =	swait.ge [sflag:s25], $0x2700  }
0x108: {  	[sflag:s25] =	ssyncset.done $0x0  }
0x109: {  	s5 =	smov.u32 s21;
	[sflag:s25] =	ssyncadd.s32 $0xFFFFD900  }
0x10a: {  	_ = 	snop  }
.LBB2_10:
0x10b: {  	_ =	sfence.sel $0x180000  }
0x10c: {  	[bflag:$0x0] =	sbarrier.arrive $0xFFFF  }
0x10d: {  	_ =	strace $0x9000004A  }
0x10e: {  	[bflag:$0x2] =	sbarrier.arrive $0xFFFF  }
0x10f: {  	p0 =	sne.s32 s3, $0x0;
	s0 =	rddreg [dreg:$0x3]  }
0x110: {  	s0 =	sadd.s32 @!p0 $0x100000, s0  }
0x111: {  	[sflag:s0] =	ssyncadd.tile.s32 @!p0 $0x1;
	_ =	shalt  }
.Lfunc_end2:
_tile_overlayer_lowered:
.L_overlay_start_2:
0x112: {  	(tag) =	ssettag $0x2  }
0x113: {  	s0 =	rddreg [dreg:$0x0];
	s2 =	stileid.u32  }
0x114: {  	s1 =	rddreg [dreg:$0x1];
	p0 =	sne.s32 s2, $0x0  }
0x115: {  	s3 =	rddreg [dreg:$0x2];
	[bflag:$0x3] =	sbarrier.arrive $0xFFFF;
	s2 =	simm.s32 @!p0 $0x1C05  }
0x116: {  	[timem:s3], [sflag:s2] =	dma.local @!p0 [hbm:s0], s1  }
0x117: {  	s0 =	simm.s32 @!p0 $0x5  }
0x118: {  	_ =	swait.ge @!p0 [sflag:s0], s1  }
0x119: {  	s1 =	ssub.s32 @!p0 $0x0, s1;
	[sflag:s0] =	ssyncset.done @!p0 $0x0  }
0x11a: {  	[sflag:s0] =	ssyncadd.s32 @!p0 s1  }
0x11b: {  	[bflag:$0x3] =	sbarrier.arrive $0xFFFF  }
0x11c: {  	_ =	shalt  }

// kernel: kernel.7.cloned.1.call-start
scs
__scs_entry_jumppad:
0x0: {  	(pc) =	sbr.rel $0x88, $3  }
0x1: {  	(tag) =	ssettag $0x0;
	lr =	simm.s32 $0x1  }
0x2: {  	[smem:$0x3F9D] =	sst lr;
	_ =	strace $0xD0000000  }
0x3: {  	_ = 	snop  }
0x4: {  	_ = 	snop  }
0x5: {  	_ = 	snop  }
0x6: {  	_ = 	snop  }
0x7: {  	_ = 	snop  }
__scs_overlays_trampoline_lowered:
0x8: {  	[smem:$0x3FAC] =	sst s0  }
0x9: {  	[smem:$0x3FAD] =	sst s1  }
0xa: {  	[smem:$0x3FAE] =	sst s2  }
0xb: {  	[smem:$0x3FAF] =	sst s3  }
0xc: {  	[smem:$0x3FB0] =	sst s4  }
0xd: {  	[smem:$0x3FB1] =	sst s5  }
0xe: {  	[smem:$0x3FB2] =	sst s6  }
0xf: {  	[smem:$0x3FB3] =	sst s7  }
0x10: {  	[smem:$0x3FB4] =	sst s8  }
0x11: {  	[smem:$0x3FB5] =	sst s9;
	s0 =	simm.s32 @!p0 $0x0  }
0x12: {  	s1 =	sld [smem:$0x3F9B];
	s0 =	simm.s32 @p0 $0x1  }
0x13: {  	[smem:$0x3FB6] =	sst s0;
	s0 =	simm.s32 @!p1 $0x0  }
0x14: {  	s2 =	sld [smem:$0x3F9A];
	s0 =	simm.s32 @p1 $0x1  }
0x15: {  	[smem:$0x3FB7] =	sst s0;
	s0 =	simm.s32 @!p2 $0x0  }
0x16: {  	s3 =	sld [smem:$0x3FDB];
	s0 =	simm.s32 @p2 $0x1  }
0x17: {  	s4 =	simm.s32 $0x1BF5;
	[smem:$0x3FB9] =	sst s0  }
0x18: {  	s0 =	sld [smem:$0x3F9C];
	_ =	swait.ge [sflag:s4], $0x0  }
0x19: {  	s7 =	sld [smem:$0x3F9D]  }
0x1a: {  	s8 =	sadd.s32 $0xFFFFE003, lr  }
0x1b: {  	s9 =	sadd.s32 $0xFFFFFEF7, lr;
	s5 =	simm.s32 $0xFFFFFFFF;
	p2 =	slt.u32 s8, $0xFFFFF086  }
0x1c: {  	p1 =	slt.u32 s9, $0xF7A;
	s5 =	simm.s32 @!p2 $0x0  }
0x1d: {  	s5 =	simm.s32 @p1 $0x1;
	p0 =	seq.s32 s7, s2  }
0x1e: {  	s7 =	smul.u32 @!p0 $0xF7A, s2;
	p2 =	seq.s32 @!p0 s5, $0x0  }
0x1f: {  	s9 =	smul.u32 $0xF7A, s1;
	s8 =	simm.s32 @!p0 $0x1BF5;
	p2 =	por !p2, p0  }
0x20: {  	[sflag:s8] =	ssyncset.s32 @!p0 $0xFFFFF086;
	s6 =	sadd.s32 @!p0 s3, s7;
	s7 =	simm.s32 @!p0 $0x108  }
0x21: {  	s3 =	sadd.s32 s3, s9;
	s6 =	sadd.s32 @!p0 $0x88, s6;
	s7 =	simm.s32 @p2 $0x1082  }
0x22: {  	[simem:s7], [sflag:s8] =	dma.local @!p0 [hbm:s6], $0xF7A  }
0x23: {  	s9 =	sor.u32 $0xD0000000, s2;
	s6 =	simm.s32 $0x108;
	_ =	swait.ge @!p0 [sflag:s8], $0x0  }
0x24: {  	s3 =	sadd.s32 $0x88, s3;
	s6 =	simm.s32 @!p1 $0x1082;
	[sflag:s4] =	ssyncset.s32 $0xFFFFF086  }
0x25: {  	[simem:s6], [sflag:s4] =	dma.local [hbm:s3], $0xF7A  }
0x26: {  	[smem:$0x3F9D] =	sst s1;
	(tag) =	ssettag s2;
	_ =	strace s9  }
0x27: {  	s1 =	sld [smem:$0x3FAD]  }
0x28: {  	s2 =	sld [smem:$0x3FAE]  }
0x29: {  	s4 =	sld [smem:$0x3FB0]  }
0x2a: {  	p0 =	seq.s32 s5, $0x0;
	s5 =	sld [smem:$0x3FB1]  }
0x2b: {  	s6 =	sld [smem:$0x3FB2]  }
0x2c: {  	s7 =	sld [smem:$0x3FB3]  }
0x2d: {  	s3 =	simm.s32 $0x108;
	s8 =	sld [smem:$0x3FB4]  }
0x2e: {  	s3 =	simm.s32 @!p0 $0x1082;
	s9 =	sld [smem:$0x3FB5]  }
0x2f: {  	lr =	sadd.s32 s0, s3;
	s0 =	sld [smem:$0x3FAC]  }
0x30: {  	s3 =	sld [smem:$0x3FAF]  }
0x31: {  	[smem:$0x3FB8] =	sst s10  }
0x32: {  	s10 =	sld [smem:$0x3FB6];
	_ =	sdelay $0x3  }
0x33: {  	p0 =	seq.s32 s10, $0x1;
	s10 =	sld [smem:$0x3FB8];
	_ =	sdelay $0x3  }
0x34: {  	[smem:$0x3FB8] =	sst s10  }
0x35: {  	s10 =	sld [smem:$0x3FB7];
	_ =	sdelay $0x3  }
0x36: {  	p1 =	seq.s32 s10, $0x1;
	s10 =	sld [smem:$0x3FB8];
	_ =	sdelay $0x3  }
0x37: {  	[smem:$0x3FB8] =	sst s10  }
0x38: {  	s10 =	sld [smem:$0x3FB9]  }
0x39: {  	_ = 	snop;
	(pc) =	sbr.ind lr, $3  }
0x3a: {  	_ = 	snop  }
0x3b: {  	_ = 	snop  }
0x3c: {  	p2 =	seq.s32 s10, $0x1;
	s10 =	sld [smem:$0x3FB8]  }
0x3d: {  	_ =	shalt  }
0x3e: {  	_ =	shalt  }
0x3f: {  	_ =	shalt  }
0x40: {  	_ =	shalt  }
0x41: {  	_ =	shalt  }
0x42: {  	_ =	shalt  }
0x43: {  	_ =	shalt  }
0x44: {  	_ =	shalt  }
0x45: {  	_ =	shalt  }
0x46: {  	_ =	shalt  }
0x47: {  	_ =	shalt  }
0x48: {  	_ =	shalt  }
0x49: {  	_ =	shalt  }
0x4a: {  	_ =	shalt  }
0x4b: {  	_ =	shalt  }
0x4c: {  	_ =	shalt  }
0x4d: {  	_ =	shalt  }
0x4e: {  	_ =	shalt  }
0x4f: {  	_ =	shalt  }
0x50: {  	_ =	shalt  }
0x51: {  	_ =	shalt  }
0x52: {  	_ =	shalt  }
0x53: {  	_ =	shalt  }
0x54: {  	_ =	shalt  }
0x55: {  	_ =	shalt  }
0x56: {  	_ =	shalt  }
0x57: {  	_ =	shalt  }
0x58: {  	_ =	shalt  }
0x59: {  	_ =	shalt  }
0x5a: {  	_ =	shalt  }
0x5b: {  	_ =	shalt  }
0x5c: {  	_ =	shalt  }
0x5d: {  	_ =	shalt  }
0x5e: {  	_ =	shalt  }
0x5f: {  	_ =	shalt  }
0x60: {  	_ =	shalt  }
0x61: {  	_ =	shalt  }
0x62: {  	_ =	shalt  }
0x63: {  	_ =	shalt  }
0x64: {  	_ =	shalt  }
0x65: {  	_ =	shalt  }
0x66: {  	_ =	shalt  }
0x67: {  	_ =	shalt  }
0x68: {  	_ =	shalt  }
0x69: {  	_ =	shalt  }
0x6a: {  	_ =	shalt  }
0x6b: {  	_ =	shalt  }
0x6c: {  	_ =	shalt  }
0x6d: {  	_ =	shalt  }
0x6e: {  	_ =	shalt  }
0x6f: {  	_ =	shalt  }
0x70: {  	_ =	shalt  }
0x71: {  	_ =	shalt  }
0x72: {  	_ =	shalt  }
0x73: {  	_ =	shalt  }
0x74: {  	_ =	shalt  }
0x75: {  	_ =	shalt  }
0x76: {  	_ =	shalt  }
0x77: {  	_ =	shalt  }
0x78: {  	_ =	shalt  }
0x79: {  	_ =	shalt  }
0x7a: {  	_ =	shalt  }
0x7b: {  	_ =	shalt  }
0x7c: {  	_ =	shalt  }
0x7d: {  	_ =	shalt  }
0x7e: {  	_ =	shalt  }
0x7f: {  	_ =	shalt  }
0x80: {  	_ =	shalt  }
0x81: {  	_ =	shalt  }
0x82: {  	_ =	shalt  }
0x83: {  	_ =	shalt  }
0x84: {  	_ =	shalt  }
0x85: {  	_ =	shalt  }
0x86: {  	_ =	shalt  }
0x87: {  	_ =	shalt  }
.Lfunc_end0:
.L_simem_size_0:
called_computation_lowered:
.L_overlay_start_0:
0x88: {  	s2 =	sld [smem:$0x3FD9]  }
0x89: {  	s3 =	sld [smem:$0x3FFE];
	_ =	sdelay $0x1  }
0x8a: {  	s1 =	srdreg.scid  }
0x8b: {  	s0 =	sand.u32 $0x1, s1  }
0x8c: {  	s17 =	sshll.u32 s0, $0xA;
	s2 =	sadd.s32 s3, s2  }
0x8d: {  	s2 =	sadd.s32 s2, s17  }
0x8e: {  	[smem:$0x3FC4] =	sst s2  }
0x8f: {  	_ = 	snop  }
0x90: {  	s2 =	sld [smem:$0x3FD0];
	(tm) =	ssettm $0x1  }
0x91: {  	s18 =	sld [smem:$0x3FFB];
	_ =	sdelay $0x3  }
0x92: {  	_ =	strace s18  }
0x93: {  	s3 =	sld [smem:$0x3FFC];
	_ =	sdelay $0x3  }
0x94: {  	_ =	strace s3  }
0x95: {  	s3 =	sld [smem:$0x3FFD];
	_ =	sdelay $0x3  }
0x96: {  	_ =	strace s3  }
0x97: {  	_ =	strace $0x8FFFFFFF  }
0x98: {  	s19 =	sld [smem:$0x3FDB];
	_ =	sdelay $0x1  }
0x99: {  	s4 =	simm.s32 $_scs_section_size  }
0x9a: {  	s5 =	simm.s32 $_size__tile_overlayer_lowered;
	s6 =	simm.s32 $_tile_overlayer_lowered  }
0x9b: {  	s22 =	simm.s32 $0x1BFF;
	s21 =	sshll.u32 s6, $0x1;
	s3 =	sadd.s32 s4, s19  }
0x9c: {  	s7 =	simm.s32 $0x0;
	s20 =	sshll.u32 s5, $0x1;
	s5 =	sadd.s32 s21, s3  }
0x9d: {  	[timem:s7], [sflag:s22] =	dma.local [hbm:s5], s20  }
0x9e: {  	_ =	swait.ge [sflag:s22], s20  }
0x9f: {  	s4 =	ssub.s32 $0x0, s20;
	[sflag:s22] =	ssyncset.done $0x0  }
0xa0: {  	[sflag:s22] =	ssyncadd.s32 s4;
	_ =	sdelay $0x1  }
0xa1: {  	s23 =	simm.s32 $0x1B8B  }
0xa2: {  	_ =	swait.ge [sflag:s23], $0x1  }
0xa3: {  	[sflag:s23] =	ssyncset.done $0x0  }
0xa4: {  	s25 =	simm.s32 $0x1B8E;
	s24 =	sld [smem:$0x3FFE];
	[sflag:s23] =	ssyncadd.s32 $0xFFFFFFFF  }
0xa5: {  	s26 =	simm.s32 $execute0_lowered;
	[smem:$0x3FD2] =	sst s25  }
0xa6: {  	s5 =	sshll.u32 s26, $0x1;
	_ =	strace $0x80000046;
	[dreg:$0x1] =	wrdreg $0xFFFFFFFF  }
0xa7: {  	s28 =	simm.s32 $_size_execute0_lowered;
	s3 =	sadd.s32 s3, s5;
	[dreg:$0x0] =	wrdreg $0x0  }
0xa8: {  	s5 =	sshll.u32 s28, $0x1;
	[dreg:$0x2] =	wrdreg s3  }
0xa9: {  	[dreg:$0x3] =	wrdreg s5  }
0xaa: {  	[dreg:$0x4] =	wrdreg $0xC0  }
0xab: {  	_ =	task [dreg:s7], $0x5FFFF  }
0xac: {  	[dreg:$0x1] =	wrdreg $0xFFFFFFFF  }
0xad: {  	[dreg:$0x0] =	wrdreg $0x60  }
0xae: {  	[dreg:$0x2] =	wrdreg s24  }
0xaf: {  	[dreg:$0x3] =	wrdreg s2  }
0xb0: {  	[dreg:$0x4] =	wrdreg $0x0  }
0xb1: {  	[dreg:$0x5] =	wrdreg $0x9  }
0xb2: {  	_ =	task.clear_ibuf [dreg:s7], $0x6FFFF;
	_ =	strace $0x90000046  }
0xb3: {  	s29 =	simm.s32 $0x9;
	_ =	strace $0x80000048  }
0xb4: {  	_ =	swait.ge [sflag:s29], $0x1  }
0xb5: {  	[sflag:s29] =	ssyncadd.s32 $0xFFFFFFFF  }
0xb6: {  	_ =	strace $0x90000048  }
0xb7: {  	_ =	sfence  }
0xb8: {  	s30 =	sld [smem:$0x0];
	_ =	sdelay $0x2  }
0xb9: {  	s31 =	sshll.u32 s1, $0xD;
	s1 =	sshrl.u32 s1, $0x2  }
0xba: {  	s3 =	sand.u32 $0x4000, s31;
	s1 =	sadd.s32 s1, s30  }
0xbb: {  	s0 =	sor.u32 s3, s0;
	s1 =	sshll.u32 s1, $0x11  }
0xbc: {  	s0 =	sor.u32 s1, s0  }
0xbd: {  	s0 =	sadd.s32 $0x8F2B, s0  }
0xbe: {  	[sflag:s0] =	ssyncadd.remote.s32 $0x1  }
0xbf: {  	_ =	sfence.sel $0xFFFF  }
0xc0: {  	[dreg:$0x0] =	wrdreg $0xFFFFFFFF;
	(pc) =	sbr.abs _section_cstart, $3  }
0xc1: {  	[dreg:$0x1] =	wrdreg $0xFFFFFFFF  }
0xc2: {  	_ =	task.clear_ibuf [dreg:s7], $0x2FFFF;
	_ =	strace $0x9FFFFFFF  }
0xc3: {  	(tm) =	ssettm $0x7FFFFFFF  }
tec
execute0_lowered:
.L_overlay_start_1:
0x0: {  	(tag) =	ssettag $0x1  }
0x1: {  	s0 =	rddreg [dreg:$0x0]  }
0x2: {  	s3 =	rddreg [dreg:$0x1]  }
0x3: {  	s1 =	rddreg [dreg:$0x2];
	s2 =	simm.s32 $0x0  }
0x4: {  	s5 =	srdreg.scid;
	s20 =	stileid.u32;
	s28 =	simm.s32 $0x16080  }
0x5: {  	s29 =	simm.s32 $0x18900;
	s30 =	simm.s32 $0x1;
	s31 =	simm.s32 $0x3  }
0x6: {  	[smem:$0x7FF] =	sst s2;
	s4 =	sadd.s32 $0xB200, s0;
	s6 =	smul.u32 $0x4E000, s20  }
0x7: {  	s12 =	sadd.s32 $0x27C200, s0;
	s14 =	sadd.s32 $0x1400, s0;
	s17 =	smul.u32 $0x2700, s20  }
0x8: {  	s16 =	sand.u32 $0x1, s5;
	s23 =	sadd.s32 $0x4ED200, s0;
	s18 =	smul.u32 $0x2710, s20  }
0x9: {  	s21 =	sadd.s32 $0x514400, s0;
	s15 =	smul.u32 $0x27100, s20;
	s8 =	sadd.s32 $0x138000, s1  }
0xa: {  	s9 =	sadd.s32 $0x27000, s3;
	p1 =	sne.s32 s20, $0xF;
	p2 =	seq.s32 s20, $0xF  }
0xb: {  	_ =	strace $0x80000047;
	s7 =	ssub.s32 $0x2, s16;
	[dreg:$0x5] =	wrdreg s21  }
0xc: {  	[dreg:$0x4] =	wrdreg s23;
	p0 =	sne.s32 s16, $0x0;
	s24 =	sshrl.u32 s7, $0x1  }
0xd: {  	s6 =	sshrl.u32 s6, $0x2;
	s10 =	sadd.s32 s12, s15;
	s25 =	sadd.s32 $0x50, s18  }
0xe: {  	s11 =	sshrl.u32 s18, $0x3;
	s26 =	sadd.s32 s21, s17;
	s15 =	sadd.s32 s4, s15  }
0xf: {  	s21 =	sadd.s32 $0x26C0, s18;
	s5 =	sadd.s32 s23, s17;
	s0 =	ssub.s32 s7, s24  }
0x10: {  	s6 =	sadd.s32 s6, s1;
	s7 =	sadd.s32 s3, s17;
	s19 =	sshll.u32 s25, $0x4  }
0x11: {  	s3 =	sshrl.u32 s25, $0x3;
	s11 =	sadd.s32 s14, s11;
	[dreg:$0x7] =	wrdreg s26  }
0x12: {  	[dreg:$0x9] =	wrdreg s5;
	s23 =	sshll.u32 s21, $0x4;
	s25 =	smul.u32 $0x4E2, s20  }
0x13: {  	s26 =	sshll.u32 s20, $0x6;
	s13 =	sadd.s32 s12, s19;
	s22 =	sadd.s32 s4, s19  }
0x14: {  	s18 =	smax.u32 s0, $0x1;
	s24 =	sadd.s32 s12, s23;
	[dreg:$0x6] =	wrdreg s13  }
0x15: {  	s4 =	sadd.s32 s4, s23;
	s12 =	simm.s32 $0x4;
	[dreg:$0x8] =	wrdreg s22  }
.Ltmp0:
0x16: {  	s13 =	sadd.s32 s14, s3;
	[dreg:$0xa] =	wrdreg s24;
	(pc) =	sbr.rel .LBB2_1-.Ltmp0, $4  }
0x17: {  	s3 =	sshrl.u32 s21, $0x3;
	[dreg:$0xb] =	wrdreg s4;
	s22 =	sor.u32 $0x1C05, s26  }
0x18: {  	s0 =	sadd.s32 s25, s14;
	s24 =	simm.s32 $0x5;
	s25 =	simm.s32 $0x13880  }
0x19: {  	s26 =	simm.s32 $0x18880;
	s21 =	sadd.s32 s14, s3;
	s19 =	sadd.s32 $0x1E, s0  }
0x1a: {  	s0 =	simm.s32 $0x50;
	s3 =	simm.s32 $0x2;
	s14 =	simm.s32 $0x0  }
.LBB2_8:
0x1b: {  	s4 =	sadd.s32 $0x27000, s4;
	s5 =	sshrl.u32 s8, $0x3  }
0x1c: {  	[hbm:s4], [sflag:s22] =	dma.local [spmem:s5], $0x100  }
0x1d: {  	_ =	swait.ge [sflag:s24], $0x100  }
0x1e: {  	[sflag:s24] =	ssyncset.done $0x0  }
0x1f: {  	[sflag:s24] =	ssyncadd.s32 $0xFFFFFF00  }
.LBB2_9:
0x20: {  	s14 =	sadd.s32 $0x1, s14  }
0x21: {  	p3 =	sne.s32 s14, s18  }
.Ltmp1:
0x22: {  	_ = 	snop;
	(pc) =	sbr.rel @!p3 .LBB2_10-.Ltmp1, $1  }
0x23: {  	_ =	sdelay $0x3  }
.LBB2_1:
.Ltmp2:
0x24: {  	s16 =	sshrl.u32 s6, $0x3;
	(pc) =	sbr.rel @p0 .LBB2_5-.Ltmp2, $4  }
0x25: {  	[spmem:s16], [sflag:s22] =	dma.local [hbm:s7], $0x2700  }
0x26: {  	_ =	swait.ge [sflag:s24], $0x2700  }
0x27: {  	[sflag:s24] =	ssyncset.done $0x0  }
0x28: {  	s4 =	sshrl.u32 @!p1 s8, $0x3;
	[sflag:s24] =	ssyncadd.s32 $0xFFFFD900  }
0x29: {  	[spmem:s4], [sflag:s22] =	dma.local @!p1 [hbm:s9], $0x100  }
0x2a: {  	s4 =	simm.s32 @!p1 $0x5  }
0x2b: {  	_ =	swait.ge @!p1 [sflag:s4], $0x100  }
0x2c: {  	[sflag:s4] =	ssyncset.done @!p1 $0x0  }
0x2d: {  	[sflag:s4] =	ssyncadd.s32 @!p1 $0xFFFFFF00  }
0x2e: {  	s17 =	simm.s32 $0x0;
	[bflag:$0x0] =	sbarrier.arrive $0xFFFF  }
0x2f: {  	[tilespmem:s25], [sflag:$0x1] =	stream.linear.gather [hbm4b:s15+s17], $0x2800, $0x38;
	[tilespmem:$0x18980] =	vst v63  }
0x30: {  	_ = 	snop  }
0x31: {  	[tilespmem:s26], [sflag:$0x3] =	stream.linear.gather [hbm4b:s11+s17], $0x50, $0x38;
	[tilespmem:$0x18980] =	vst v63  }
0x32: {  	s5 =	rddreg [dreg:$0x8]  }
0x33: {  	[tilespmem:s28], [sflag:$0x2] =	stream.linear.gather [hbm4b:s5+s17], $0x2800, $0x38;
	[tilespmem:$0x18980] =	vst v63  }
0x34: {  	_ = 	snop  }
0x35: {  	[tilespmem:s29], [sflag:$0x4] =	stream.linear.gather [hbm4b:s13+s17], $0x50, $0x38;
	[tilespmem:$0x18980] =	vst v63  }
0x36: {  	_ =	swait.ge [sflag:s30], $0x2800  }
0x37: {  	[sflag:s30] =	ssyncset.done $0x0  }
0x38: {  	[sflag:s30] =	ssyncadd.s32 $0xFFFFD800  }
0x39: {  	_ =	swait.ge [sflag:s31], $0x50  }
0x3a: {  	[sflag:s31] =	ssyncset.done $0x0  }
0x3b: {  	[sflag:s31] =	ssyncadd.s32 $0xFFFFFFB0  }
0x3c: {  	[spmem:s1] =	stream.indirect.scatter.add.f32 [tilespmem:s25], [sflag:$0x5], $0x80, s26, s0, $0xb8;
	[tilespmem:$0x18980] =	vst v63  }
0x3d: {  	_ =	swait.ge [sflag:s24], $0x2800  }
0x3e: {  	s20 =	sadd.s32 $0x0, s15;
	[sflag:s24] =	ssyncset.done $0x0  }
0x3f: {  	s17 =	sadd.s32 $0xA00, s20;
	[sflag:s24] =	ssyncadd.s32 $0xFFFFD800  }
0x40: {  	[tilespmem:s25], [sflag:$0x1] =	stream.linear.gather [hbm4b:s17+s2], $0x2800, $0x38;
	[tilespmem:$0x18980] =	vst v63  }
0x41: {  	s23 =	sadd.s32 $0xFFFFFFF6, s19  }
0x42: {  	[tilespmem:s26], [sflag:$0x3] =	stream.linear.gather [hbm4b:s23+s2], $0x50, $0x38;
	[tilespmem:$0x18980] =	vst v63  }
0x43: {  	_ =	swait.ge [sflag:s3], $0x2800  }
0x44: {  	[sflag:s3] =	ssyncset.done $0x0  }
0x45: {  	[sflag:s3] =	ssyncadd.s32 $0xFFFFD800  }
0x46: {  	_ =	swait.ge [sflag:s12], $0x50  }
0x47: {  	[sflag:s12] =	ssyncset.done $0x0  }
0x48: {  	[sflag:s12] =	ssyncadd.s32 $0xFFFFFFB0  }
0x49: {  	[spmem:s1] =	stream.indirect.scatter.add.f32 [tilespmem:s28], [sflag:$0x5], $0x80, s29, s0, $0xb8;
	[tilespmem:$0x18980] =	vst v63  }
0x4a: {  	_ =	swait.ge [sflag:s24], $0x2800  }
0x4b: {  	[sflag:s24] =	ssyncset.done $0x0  }
0x4c: {  	s4 =	sadd.s32 $0xF00, s20;
	[sflag:s24] =	ssyncadd.s32 $0xFFFFD800  }
0x4d: {  	[tilespmem:s28], [sflag:$0x2] =	stream.linear.gather [hbm4b:s4+s2], $0x2800, $0x38;
	[tilespmem:$0x18980] =	vst v63  }
0x4e: {  	s17 =	simm.s32 $0xA00;
	s23 =	smov.u32 s19;
	s4 =	sadd.s32 $0x14, s19  }
.LBB2_3:
0x4f: {  	[tilespmem:s29], [sflag:$0x4] =	stream.linear.gather [hbm4b:s23+s2], $0x50, $0x38;
	[tilespmem:$0x18980] =	vst v63  }
0x50: {  	s5 =	smov.u32 s17;
	s23 =	smov.u32 s4  }
0x51: {  	p3 =	sne.s32 s17, $0x25800;
	s17 =	sadd.s32 $0xA00, s17;
	_ =	swait.ge [sflag:s30], $0x2800  }
0x52: {  	[sflag:s30] =	ssyncset.done $0x0  }
0x53: {  	[sflag:s30] =	ssyncadd.s32 $0xFFFFD800  }
0x54: {  	_ =	swait.ge [sflag:s31], $0x50  }
0x55: {  	[sflag:s31] =	ssyncset.done $0x0  }
0x56: {  	[sflag:s31] =	ssyncadd.s32 $0xFFFFFFB0  }
0x57: {  	[spmem:s1] =	stream.indirect.scatter.add.f32 [tilespmem:s25], [sflag:$0x5], $0x80, s26, s0, $0xb8;
	[tilespmem:$0x18980] =	vst v63  }
0x58: {  	_ =	swait.ge [sflag:s24], $0x2800  }
0x59: {  	s5 =	sadd.s32 s5, s15;
	[sflag:s24] =	ssyncset.done $0x0  }
0x5a: {  	s20 =	sadd.s32 $0xA00, s5;
	[sflag:s24] =	ssyncadd.s32 $0xFFFFD800  }
0x5b: {  	[tilespmem:s25], [sflag:$0x1] =	stream.linear.gather [hbm4b:s20+s2], $0x2800, $0x38;
	[tilespmem:$0x18980] =	vst v63  }
0x5c: {  	s20 =	sadd.s32 $0xFFFFFFF6, s4  }
0x5d: {  	[tilespmem:s26], [sflag:$0x3] =	stream.linear.gather [hbm4b:s20+s2], $0x50, $0x38;
	[tilespmem:$0x18980] =	vst v63  }
0x5e: {  	_ =	swait.ge [sflag:s3], $0x2800  }
0x5f: {  	[sflag:s3] =	ssyncset.done $0x0  }
0x60: {  	[sflag:s3] =	ssyncadd.s32 $0xFFFFD800  }
0x61: {  	_ =	swait.ge [sflag:s12], $0x50  }
0x62: {  	[sflag:s12] =	ssyncset.done $0x0  }
0x63: {  	[sflag:s12] =	ssyncadd.s32 $0xFFFFFFB0  }
0x64: {  	[spmem:s1] =	stream.indirect.scatter.add.f32 [tilespmem:s28], [sflag:$0x5], $0x80, s29, s0, $0xb8;
	[tilespmem:$0x18980] =	vst v63  }
.Ltmp3:
0x65: {  	_ =	swait.ge [sflag:s24], $0x2800;
	(pc) =	sbr.rel @p3 .LBB2_3-.Ltmp3, $4  }
0x66: {  	[sflag:s24] =	ssyncset.done $0x0  }
0x67: {  	s5 =	sadd.s32 $0xF00, s5;
	[sflag:s24] =	ssyncadd.s32 $0xFFFFD800  }
0x68: {  	[tilespmem:s28], [sflag:$0x2] =	stream.linear.gather [hbm4b:s5+s2], $0x2800, $0x38;
	[tilespmem:$0x18980] =	vst v63  }
0x69: {  	s4 =	sadd.s32 $0x14, s4  }
0x6a: {  	[tilespmem:s29], [sflag:$0x4] =	stream.linear.gather [hbm4b:s23+s2], $0x50, $0x38;
	[tilespmem:$0x18980] =	vst v63  }
0x6b: {  	_ =	swait.ge [sflag:s30], $0x2800  }
0x6c: {  	[sflag:s30] =	ssyncset.done $0x0  }
0x6d: {  	[sflag:s30] =	ssyncadd.s32 $0xFFFFD800  }
0x6e: {  	_ =	swait.ge [sflag:s31], $0x50  }
0x6f: {  	[sflag:s31] =	ssyncset.done $0x0  }
0x70: {  	[sflag:s31] =	ssyncadd.s32 $0xFFFFFFB0  }
0x71: {  	[spmem:s1] =	stream.indirect.scatter.add.f32 [tilespmem:s25], [sflag:$0x5], $0x80, s26, s0, $0xb8;
	[tilespmem:$0x18980] =	vst v63  }
0x72: {  	_ =	swait.ge [sflag:s24], $0x2800  }
0x73: {  	[sflag:s24] =	ssyncset.done $0x0  }
0x74: {  	s4 =	rddreg [dreg:$0xb];
	[sflag:s24] =	ssyncadd.s32 $0xFFFFD800  }
0x75: {  	[tilespmem:s25], [sflag:$0x1] =	stream.linear.gather [hbm4b:s4+s2], $0x2800, $0x38;
	[tilespmem:$0x18980] =	vst v63  }
0x76: {  	_ = 	snop  }
0x77: {  	[tilespmem:s26], [sflag:$0x3] =	stream.linear.gather [hbm4b:s21+s2], $0x50, $0x38;
	[tilespmem:$0x18980] =	vst v63  }
0x78: {  	_ =	swait.ge [sflag:s3], $0x2800  }
0x79: {  	[sflag:s3] =	ssyncset.done $0x0  }
0x7a: {  	[sflag:s3] =	ssyncadd.s32 $0xFFFFD800  }
0x7b: {  	_ =	swait.ge [sflag:s12], $0x50  }
0x7c: {  	[sflag:s12] =	ssyncset.done $0x0  }
0x7d: {  	[sflag:s12] =	ssyncadd.s32 $0xFFFFFFB0  }
0x7e: {  	[spmem:s1] =	stream.indirect.scatter.add.f32 [tilespmem:s28], [sflag:$0x5], $0x80, s29, s0, $0xb8;
	[tilespmem:$0x18980] =	vst v63  }
0x7f: {  	_ =	swait.ge [sflag:s24], $0x2800  }
0x80: {  	[sflag:s24] =	ssyncset.done $0x0  }
0x81: {  	[sflag:s24] =	ssyncadd.s32 $0xFFFFD800  }
0x82: {  	_ =	swait.ge [sflag:s30], $0x2800  }
0x83: {  	[sflag:s30] =	ssyncset.done $0x0  }
0x84: {  	[sflag:s30] =	ssyncadd.s32 $0xFFFFD800  }
0x85: {  	_ =	swait.ge [sflag:s31], $0x50  }
0x86: {  	[sflag:s31] =	ssyncset.done $0x0  }
0x87: {  	[sflag:s31] =	ssyncadd.s32 $0xFFFFFFB0  }
0x88: {  	[spmem:s1] =	stream.indirect.scatter.add.f32 [tilespmem:s25], [sflag:$0x5], $0x80, s26, s0, $0xb8;
	[tilespmem:$0x18980] =	vst v63  }
0x89: {  	_ =	swait.ge [sflag:s24], $0x2800  }
0x8a: {  	[sflag:s24] =	ssyncset.done $0x0  }
0x8b: {  	[sflag:s24] =	ssyncadd.s32 $0xFFFFD800  }
0x8c: {  	[bflag:$0x0] =	sbarrier.arrive $0xFFFF  }
0x8d: {  	s23 =	rddreg [dreg:$0x9]  }
0x8e: {  	[hbm:s23], [sflag:s22] =	dma.local [spmem:s16], $0x2700  }
.Ltmp4:
0x8f: {  	_ = 	snop;
	(pc) =	sbr.rel @p2 .LBB2_8-.Ltmp4, $4  }
.Ltmp5:
0x90: {  	_ = 	snop;
	(pc) =	sbr.rel @!p2 .LBB2_9-.Ltmp5, $4  }
0x91: {  	_ =	swait.ge [sflag:s24], $0x2700  }
0x92: {  	[sflag:s24] =	ssyncset.done $0x0  }
0x93: {  	s4 =	rddreg [dreg:$0x4];
	[sflag:s24] =	ssyncadd.s32 $0xFFFFD900  }
0x94: {  	_ = 	snop  }
.LBB2_5:
0x95: {  	[spmem:s4], [sflag:s22] =	dma.local @!p1 [hbm:s9], $0x100  }
0x96: {  	s4 =	simm.s32 @!p1 $0x5  }
0x97: {  	_ =	swait.ge @!p1 [sflag:s4], $0x100  }
0x98: {  	[sflag:s4] =	ssyncset.done @!p1 $0x0  }
0x99: {  	[sflag:s4] =	ssyncadd.s32 @!p1 $0xFFFFFF00  }
0x9a: {  	s23 =	simm.s32 $0x0;
	[bflag:$0x0] =	sbarrier.arrive $0xFFFF  }
0x9b: {  	[tilespmem:s25], [sflag:$0x1] =	stream.linear.gather [hbm4b:s10+s23], $0x2800, $0x38;
	[tilespmem:$0x18980] =	vst v63  }
0x9c: {  	_ = 	snop  }
0x9d: {  	[tilespmem:s26], [sflag:$0x3] =	stream.linear.gather [hbm4b:s11+s23], $0x50, $0x38;
	[tilespmem:$0x18980] =	vst v63  }
0x9e: {  	s5 =	rddreg [dreg:$0x6]  }
0x9f: {  	[tilespmem:s28], [sflag:$0x2] =	stream.linear.gather [hbm4b:s5+s23], $0x2800, $0x38;
	[tilespmem:$0x18980] =	vst v63  }
0xa0: {  	_ = 	snop  }
0xa1: {  	[tilespmem:s29], [sflag:$0x4] =	stream.linear.gather [hbm4b:s13+s23], $0x50, $0x38;
	[tilespmem:$0x18980] =	vst v63  }
0xa2: {  	_ =	swait.ge [sflag:s30], $0x2800  }
0xa3: {  	[sflag:s30] =	ssyncset.done $0x0  }
0xa4: {  	[sflag:s30] =	ssyncadd.s32 $0xFFFFD800  }
0xa5: {  	_ =	swait.ge [sflag:s31], $0x50  }
0xa6: {  	[sflag:s31] =	ssyncset.done $0x0  }
0xa7: {  	[sflag:s31] =	ssyncadd.s32 $0xFFFFFFB0  }
0xa8: {  	[spmem:s1] =	stream.indirect.scatter.add.f32 [tilespmem:s25], [sflag:$0x5], $0x80, s26, s0, $0xb8;
	[tilespmem:$0x18980] =	vst v63  }
0xa9: {  	_ =	swait.ge [sflag:s24], $0x2800  }
0xaa: {  	s17 =	sadd.s32 $0x0, s10;
	[sflag:s24] =	ssyncset.done $0x0  }
0xab: {  	s20 =	sadd.s32 $0xA00, s17;
	[sflag:s24] =	ssyncadd.s32 $0xFFFFD800  }
0xac: {  	[tilespmem:s25], [sflag:$0x1] =	stream.linear.gather [hbm4b:s20+s2], $0x2800, $0x38;
	[tilespmem:$0x18980] =	vst v63  }
0xad: {  	s23 =	sadd.s32 $0xFFFFFFF6, s19  }
0xae: {  	[tilespmem:s26], [sflag:$0x3] =	stream.linear.gather [hbm4b:s23+s2], $0x50, $0x38;
	[tilespmem:$0x18980] =	vst v63  }
0xaf: {  	_ =	swait.ge [sflag:s3], $0x2800  }
0xb0: {  	[sflag:s3] =	ssyncset.done $0x0  }
0xb1: {  	[sflag:s3] =	ssyncadd.s32 $0xFFFFD800  }
0xb2: {  	_ =	swait.ge [sflag:s12], $0x50  }
0xb3: {  	[sflag:s12] =	ssyncset.done $0x0  }
0xb4: {  	[sflag:s12] =	ssyncadd.s32 $0xFFFFFFB0  }
0xb5: {  	[spmem:s1] =	stream.indirect.scatter.add.f32 [tilespmem:s28], [sflag:$0x5], $0x80, s29, s0, $0xb8;
	[tilespmem:$0x18980] =	vst v63  }
0xb6: {  	_ =	swait.ge [sflag:s24], $0x2800  }
0xb7: {  	[sflag:s24] =	ssyncset.done $0x0  }
0xb8: {  	s4 =	sadd.s32 $0xF00, s17;
	[sflag:s24] =	ssyncadd.s32 $0xFFFFD800  }
0xb9: {  	[tilespmem:s28], [sflag:$0x2] =	stream.linear.gather [hbm4b:s4+s2], $0x2800, $0x38;
	[tilespmem:$0x18980] =	vst v63  }
0xba: {  	s17 =	simm.s32 $0xA00;
	s23 =	smov.u32 s19;
	s4 =	sadd.s32 $0x14, s19  }
.LBB2_6:
0xbb: {  	[tilespmem:s29], [sflag:$0x4] =	stream.linear.gather [hbm4b:s23+s2], $0x50, $0x38;
	[tilespmem:$0x18980] =	vst v63  }
0xbc: {  	s5 =	smov.u32 s17;
	s23 =	smov.u32 s4  }
0xbd: {  	p3 =	sne.s32 s17, $0x25800;
	s17 =	sadd.s32 $0xA00, s17;
	_ =	swait.ge [sflag:s30], $0x2800  }
0xbe: {  	[sflag:s30] =	ssyncset.done $0x0  }
0xbf: {  	[sflag:s30] =	ssyncadd.s32 $0xFFFFD800  }
0xc0: {  	_ =	swait.ge [sflag:s31], $0x50  }
0xc1: {  	[sflag:s31] =	ssyncset.done $0x0  }
0xc2: {  	[sflag:s31] =	ssyncadd.s32 $0xFFFFFFB0  }
0xc3: {  	[spmem:s1] =	stream.indirect.scatter.add.f32 [tilespmem:s25], [sflag:$0x5], $0x80, s26, s0, $0xb8;
	[tilespmem:$0x18980] =	vst v63  }
0xc4: {  	_ =	swait.ge [sflag:s24], $0x2800  }
0xc5: {  	s5 =	sadd.s32 s5, s10;
	[sflag:s24] =	ssyncset.done $0x0  }
0xc6: {  	s20 =	sadd.s32 $0xA00, s5;
	[sflag:s24] =	ssyncadd.s32 $0xFFFFD800  }
0xc7: {  	[tilespmem:s25], [sflag:$0x1] =	stream.linear.gather [hbm4b:s20+s2], $0x2800, $0x38;
	[tilespmem:$0x18980] =	vst v63  }
0xc8: {  	s20 =	sadd.s32 $0xFFFFFFF6, s4  }
0xc9: {  	[tilespmem:s26], [sflag:$0x3] =	stream.linear.gather [hbm4b:s20+s2], $0x50, $0x38;
	[tilespmem:$0x18980] =	vst v63  }
0xca: {  	_ =	swait.ge [sflag:s3], $0x2800  }
0xcb: {  	[sflag:s3] =	ssyncset.done $0x0  }
0xcc: {  	[sflag:s3] =	ssyncadd.s32 $0xFFFFD800  }
0xcd: {  	_ =	swait.ge [sflag:s12], $0x50  }
0xce: {  	[sflag:s12] =	ssyncset.done $0x0  }
0xcf: {  	[sflag:s12] =	ssyncadd.s32 $0xFFFFFFB0  }
0xd0: {  	[spmem:s1] =	stream.indirect.scatter.add.f32 [tilespmem:s28], [sflag:$0x5], $0x80, s29, s0, $0xb8;
	[tilespmem:$0x18980] =	vst v63  }
.Ltmp6:
0xd1: {  	_ =	swait.ge [sflag:s24], $0x2800;
	(pc) =	sbr.rel @p3 .LBB2_6-.Ltmp6, $4  }
0xd2: {  	[sflag:s24] =	ssyncset.done $0x0  }
0xd3: {  	s5 =	sadd.s32 $0xF00, s5;
	[sflag:s24] =	ssyncadd.s32 $0xFFFFD800  }
0xd4: {  	[tilespmem:s28], [sflag:$0x2] =	stream.linear.gather [hbm4b:s5+s2], $0x2800, $0x38;
	[tilespmem:$0x18980] =	vst v63  }
0xd5: {  	s4 =	sadd.s32 $0x14, s4  }
0xd6: {  	[tilespmem:s29], [sflag:$0x4] =	stream.linear.gather [hbm4b:s23+s2], $0x50, $0x38;
	[tilespmem:$0x18980] =	vst v63  }
0xd7: {  	_ =	swait.ge [sflag:s30], $0x2800  }
0xd8: {  	[sflag:s30] =	ssyncset.done $0x0  }
0xd9: {  	[sflag:s30] =	ssyncadd.s32 $0xFFFFD800  }
0xda: {  	_ =	swait.ge [sflag:s31], $0x50  }
0xdb: {  	[sflag:s31] =	ssyncset.done $0x0  }
0xdc: {  	[sflag:s31] =	ssyncadd.s32 $0xFFFFFFB0  }
0xdd: {  	[spmem:s1] =	stream.indirect.scatter.add.f32 [tilespmem:s25], [sflag:$0x5], $0x80, s26, s0, $0xb8;
	[tilespmem:$0x18980] =	vst v63  }
0xde: {  	_ =	swait.ge [sflag:s24], $0x2800  }
0xdf: {  	[sflag:s24] =	ssyncset.done $0x0  }
0xe0: {  	s4 =	rddreg [dreg:$0xa];
	[sflag:s24] =	ssyncadd.s32 $0xFFFFD800  }
0xe1: {  	[tilespmem:s25], [sflag:$0x1] =	stream.linear.gather [hbm4b:s4+s2], $0x2800, $0x38;
	[tilespmem:$0x18980] =	vst v63  }
0xe2: {  	_ = 	snop  }
0xe3: {  	[tilespmem:s26], [sflag:$0x3] =	stream.linear.gather [hbm4b:s21+s2], $0x50, $0x38;
	[tilespmem:$0x18980] =	vst v63  }
0xe4: {  	_ =	swait.ge [sflag:s3], $0x2800  }
0xe5: {  	[sflag:s3] =	ssyncset.done $0x0  }
0xe6: {  	[sflag:s3] =	ssyncadd.s32 $0xFFFFD800  }
0xe7: {  	_ =	swait.ge [sflag:s12], $0x50  }
0xe8: {  	[sflag:s12] =	ssyncset.done $0x0  }
0xe9: {  	[sflag:s12] =	ssyncadd.s32 $0xFFFFFFB0  }
0xea: {  	[spmem:s1] =	stream.indirect.scatter.add.f32 [tilespmem:s28], [sflag:$0x5], $0x80, s29, s0, $0xb8;
	[tilespmem:$0x18980] =	vst v63  }
0xeb: {  	_ =	swait.ge [sflag:s24], $0x2800  }
0xec: {  	[sflag:s24] =	ssyncset.done $0x0  }
0xed: {  	[sflag:s24] =	ssyncadd.s32 $0xFFFFD800  }
0xee: {  	_ =	swait.ge [sflag:s30], $0x2800  }
0xef: {  	[sflag:s30] =	ssyncset.done $0x0  }
0xf0: {  	[sflag:s30] =	ssyncadd.s32 $0xFFFFD800  }
0xf1: {  	_ =	swait.ge [sflag:s31], $0x50  }
0xf2: {  	[sflag:s31] =	ssyncset.done $0x0  }
0xf3: {  	[sflag:s31] =	ssyncadd.s32 $0xFFFFFFB0  }
0xf4: {  	[spmem:s1] =	stream.indirect.scatter.add.f32 [tilespmem:s25], [sflag:$0x5], $0x80, s26, s0, $0xb8;
	[tilespmem:$0x18980] =	vst v63  }
0xf5: {  	_ =	swait.ge [sflag:s24], $0x2800  }
0xf6: {  	[sflag:s24] =	ssyncset.done $0x0  }
0xf7: {  	[sflag:s24] =	ssyncadd.s32 $0xFFFFD800  }
0xf8: {  	[bflag:$0x0] =	sbarrier.arrive $0xFFFF  }
0xf9: {  	s23 =	rddreg [dreg:$0x7]  }
0xfa: {  	[hbm:s23], [sflag:s22] =	dma.local [spmem:s16], $0x2700  }
.Ltmp7:
0xfb: {  	_ = 	snop;
	(pc) =	sbr.rel @p1 .LBB2_9-.Ltmp7, $4  }
.Ltmp8:
0xfc: {  	_ = 	snop;
	(pc) =	sbr.rel @!p1 .LBB2_8-.Ltmp8, $4  }
0xfd: {  	_ =	swait.ge [sflag:s24], $0x2700  }
0xfe: {  	[sflag:s24] =	ssyncset.done $0x0  }
0xff: {  	s4 =	rddreg [dreg:$0x5];
	[sflag:s24] =	ssyncadd.s32 $0xFFFFD900  }
0x100: {  	_ = 	snop  }
.LBB2_10:
0x101: {  	_ =	sfence.sel $0x180000  }
0x102: {  	[bflag:$0x0] =	sbarrier.arrive $0xFFFF  }
0x103: {  	_ =	strace $0x90000047  }
0x104: {  	s0 =	stileid.u32;
	[bflag:$0x2] =	sbarrier.arrive $0xFFFF  }
0x105: {  	p0 =	sne.s32 s0, $0x0;
	s0 =	rddreg [dreg:$0x3]  }
0x106: {  	s0 =	sadd.s32 @!p0 $0x100000, s0  }
0x107: {  	[sflag:s0] =	ssyncadd.tile.s32 @!p0 $0x1;
	_ =	shalt  }
.Lfunc_end2:
_tile_overlayer_lowered:
.L_overlay_start_2:
0x108: {  	(tag) =	ssettag $0x2  }
0x109: {  	s0 =	rddreg [dreg:$0x0];
	s2 =	stileid.u32  }
0x10a: {  	s1 =	rddreg [dreg:$0x1];
	p0 =	sne.s32 s2, $0x0  }
0x10b: {  	s3 =	rddreg [dreg:$0x2];
	[bflag:$0x3] =	sbarrier.arrive $0xFFFF;
	s2 =	simm.s32 @!p0 $0x1C05  }
0x10c: {  	[timem:s3], [sflag:s2] =	dma.local @!p0 [hbm:s0], s1  }
0x10d: {  	s0 =	simm.s32 @!p0 $0x5  }
0x10e: {  	_ =	swait.ge @!p0 [sflag:s0], s1  }
0x10f: {  	s1 =	ssub.s32 @!p0 $0x0, s1;
	[sflag:s0] =	ssyncset.done @!p0 $0x0  }
0x110: {  	[sflag:s0] =	ssyncadd.s32 @!p0 s1  }
0x111: {  	[bflag:$0x3] =	sbarrier.arrive $0xFFFF  }
0x112: {  	_ =	shalt  }

</sc_bundles>
